<compile_context>
chip_gen: v7x
topology: tpu7x:2x2x1
jax: 0.10.2.dev20260603
libtpu: 0.0.44.dev20260713+nightly
codegen_flags: <defaults>
</compile_context>

<pallas_src>
import jax
import jax.numpy as jnp
from jax import lax
from jax.experimental import pallas as pl
from jax.experimental.pallas import tpu as pltpu
from jax.experimental.pallas import tpu_sc as plsc

N_NODES = 1000000
NBX = NBY = 1024
PAIR_ROWS = NBX // 2
MAP_WORDS = PAIR_ROWS * NBY

NUM_CORES = 2
NUM_SUBCORES = 16
NW = NUM_CORES * NUM_SUBCORES
LANES = 16

B = 1568
NBLK = 20
C = B * NBLK
NP = NW * C

HI_MASK = -65536


def _lo(w):
    return lax.bitcast_convert_type(w << 16, jnp.float32)


def _hi(w):
    return lax.bitcast_convert_type(w & HI_MASK, jnp.float32)


def _body(xs, ys, sxs, sys_, pws, map_hbm, out_hbm, map_sp,
          xb, yb, sxb0, sxb1, syb0, syb1, pwb0, pwb1,
          idx0, idx1, u0b, u1b, oy0b, oy1b, val0, val1, out0, out1,
          sem0, sem1):
    cid = lax.axis_index("c")
    sid = lax.axis_index("s")
    wid = sid * NUM_CORES + cid

    @pl.when(sid == 0)
    def _():
        pltpu.sync_copy(map_hbm, map_sp)

    plsc.subcore_barrier()

    def gen(blk, sxb, syb, pwb, idxb, ub, oyb):
        base = wid * C + blk * B
        pltpu.sync_copy(xs.at[pl.ds(base, B)], xb)
        pltpu.sync_copy(ys.at[pl.ds(base, B)], yb)
        pltpu.sync_copy(sxs.at[pl.ds(base, B)], sxb)
        pltpu.sync_copy(sys_.at[pl.ds(base, B)], syb)
        pltpu.sync_copy(pws.at[pl.ds(base, B)], pwb)

        def body(c, _):
            o = c * LANES
            x = xb[pl.ds(o, LANES)]
            y = yb[pl.ds(o, LANES)]
            sx = sxb[pl.ds(o, LANES)]
            sy = syb[pl.ds(o, LANES)]
            x2 = x + sx
            y2 = y + sy
            bxl = x.astype(jnp.int32)
            byl = y.astype(jnp.int32)
            bxf = bxl.astype(jnp.float32)
            byf = byl.astype(jnp.float32)
            ox = [jnp.maximum(
                jnp.minimum(x2, bxf + (d + 1.0)) - jnp.maximum(x, bxf + float(d)),
                0.0) for d in range(3)]
            oy = [jnp.maximum(
                jnp.minimum(y2, byf + (d + 1.0)) - jnp.maximum(y, byf + float(d)),
                0.0) for d in range(3)]
            bxh = (x * 0.5).astype(jnp.int32)
            pb = bxh * NBY + byl
            odd = (bxl - 2 * bxh).astype(jnp.float32)
            even = 1.0 - odd
            u = [even * ox[0],
                 even * ox[1] + odd * ox[0],
                 even * ox[2] + odd * ox[1],
                 odd * ox[2]]
            for dy in range(3):
                for j in range(2):
                    k = dy * 2 + j
                    idxb[pl.ds(k * B + o, LANES)] = pb + (j * NBY + dy)
            for q in range(4):
                ub[pl.ds(q * B + o, LANES)] = u[q]
            for r in range(3):
                oyb[pl.ds(r * B + o, LANES)] = oy[r]
            return 0

        lax.fori_loop(0, B // LANES, body, 0)

    def acc(blk, sxb, syb, pwb, ub, oyb, valb, outb):
        def body(c, _):
            o = c * LANES
            uu = [ub[pl.ds(q * B + o, LANES)] for q in range(4)]
            s = jnp.zeros((LANES,), jnp.float32)
            for dy in range(3):
                w0 = valb[pl.ds((dy * 2) * B + o, LANES)]
                w1 = valb[pl.ds((dy * 2 + 1) * B + o, LANES)]
                inner = (_lo(w0) * uu[0] + _hi(w0) * uu[1]
                         + _lo(w1) * uu[2] + _hi(w1) * uu[3])
                s = s + oyb[pl.ds(dy * B + o, LANES)] * inner
            sx = sxb[pl.ds(o, LANES)]
            sy = syb[pl.ds(o, LANES)]
            pw = pwb[pl.ds(o, LANES)]
            outb[pl.ds(o, LANES)] = s * (10.0 * pw) / (sx * sy)
            return 0

        lax.fori_loop(0, B // LANES, body, 0)
        base = wid * C + blk * B
        pltpu.sync_copy(outb, out_hbm.at[pl.ds(base, B)])

    def step(t, _):
        b0 = 2 * t
        b1 = 2 * t + 1
        gen(b0, sxb0, syb0, pwb0, idx0, u0b, oy0b)
        d0 = pltpu.async_copy(map_sp.at[idx0], val0, sem0)

        @pl.when(t > 0)
        def _():
            pltpu.make_async_copy(map_sp.at[idx1], val1, sem1).wait()
            acc(b0 - 1, sxb1, syb1, pwb1, u1b, oy1b, val1, out1)

        gen(b1, sxb1, syb1, pwb1, idx1, u1b, oy1b)
        pltpu.async_copy(map_sp.at[idx1], val1, sem1)
        d0.wait()
        acc(b0, sxb0, syb0, pwb0, u0b, oy0b, val0, out0)
        return 0

    lax.fori_loop(0, NBLK // 2, step, 0)
    pltpu.make_async_copy(map_sp.at[idx1], val1, sem1).wait()
    acc(NBLK - 1, sxb1, syb1, pwb1, u1b, oy1b, val1, out1)


@jax.jit
def _run(xs, ys, sxs, sys_, pws, map_words):
    mesh = plsc.VectorSubcoreMesh(core_axis_name="c", subcore_axis_name="s")
    return pl.kernel(
        _body,
        out_type=jax.ShapeDtypeStruct((NP,), jnp.float32),
        mesh=mesh,
        scratch_types=[
            pltpu.VMEM_SHARED((MAP_WORDS,), jnp.int32),
            pltpu.VMEM((B,), jnp.float32),
            pltpu.VMEM((B,), jnp.float32),
            pltpu.VMEM((B,), jnp.float32),
            pltpu.VMEM((B,), jnp.float32),
            pltpu.VMEM((B,), jnp.float32),
            pltpu.VMEM((B,), jnp.float32),
            pltpu.VMEM((B,), jnp.float32),
            pltpu.VMEM((B,), jnp.float32),
            pltpu.VMEM((6 * B,), jnp.int32),
            pltpu.VMEM((6 * B,), jnp.int32),
            pltpu.VMEM((4 * B,), jnp.float32),
            pltpu.VMEM((4 * B,), jnp.float32),
            pltpu.VMEM((3 * B,), jnp.float32),
            pltpu.VMEM((3 * B,), jnp.float32),
            pltpu.VMEM((6 * B,), jnp.int32),
            pltpu.VMEM((6 * B,), jnp.int32),
            pltpu.VMEM((B,), jnp.float32),
            pltpu.VMEM((B,), jnp.float32),
            pltpu.SemaphoreType.DMA,
            pltpu.SemaphoreType.DMA,
        ],
    )(xs, ys, sxs, sys_, pws, map_words)


def kernel(pos, node_size_x, node_size_y, utilization_map, pin_weights):
    n = N_NODES
    pad = NP - n
    x = jnp.concatenate([pos[:n], jnp.zeros((pad,), jnp.float32)])
    y = jnp.concatenate([pos[n:2 * n], jnp.zeros((pad,), jnp.float32)])
    sx = jnp.concatenate([node_size_x[:n], jnp.ones((pad,), jnp.float32)])
    sy = jnp.concatenate([node_size_y[:n], jnp.ones((pad,), jnp.float32)])
    pw = jnp.concatenate([pin_weights[:n], jnp.zeros((pad,), jnp.float32)])
    b = lax.bitcast_convert_type(utilization_map, jnp.int32)
    r = b + 32767 + ((b >> 16) & 1)
    rlo = r[0::2, :]
    rhi = r[1::2, :]
    words = ((rlo >> 16) | (rhi & HI_MASK)).reshape(-1)
    out = _run(x, y, sx, sy, pw, words)
    return out[:n]

# --- scband reference (transcript-rebuilt; emitter-appended) ---
"""Pipeline reference for scband-compute-node-area-from-pin-map-12816182411854 (READ-ONLY COPY).

The authoritative reference and input builder live on the scoring server;
editing this copy changes nothing except your own understanding.
"""

import jax, jax.numpy as jnp
import numpy as np

XL, YL, XH, YH = 0.0, 0.0, 1024.0, 1024.0
NUM_MOVABLE = 1000000
NBX, NBY = 1024, 1024
BSX = (XH - XL) / NBX
BSY = (YH - YL) / NBY
UNIT_PIN_CAPACITY = 0.1


def setup_inputs(seed: int = 0) -> dict:
    key = jax.random.key(seed)
    k1, k2, k3, k4, k5, k6 = jax.random.split(key, 6)
    N = NUM_MOVABLE
    node_size_x = jax.random.uniform(k1, (N,), jnp.float32, 0.5, 2.0)
    node_size_y = jax.random.uniform(k2, (N,), jnp.float32, 0.5, 2.0)
    px = jax.random.uniform(k3, (N,), jnp.float32, XL, XH - 2.0)
    py = jax.random.uniform(k4, (N,), jnp.float32, YL, YH - 2.0)
    pos = jnp.concatenate([px, py])
    utilization_map = jax.random.uniform(k5, (NBX, NBY), jnp.float32, 0.0, 2.0)
    pin_weights = jax.random.randint(k6, (N,), 1, 16).astype(jnp.float32)
    return {"pos": pos, "node_size_x": node_size_x, "node_size_y": node_size_y,
            "utilization_map": utilization_map, "pin_weights": pin_weights}


def _node_area(pos, node_size_x, node_size_y, utilization_map):
    # Faithful translation of adjust_node_area forward: for each movable node,
    # integrate utilization_map over bins overlapping the node's bounding box,
    # weighted by the overlap area of node bbox and each bin.
    N = NUM_MOVABLE
    x = pos[:N]
    y = pos[N:2 * N]
    sx = node_size_x[:N]
    sy = node_size_y[:N]
    x_max = x + sx
    y_max = y + sy
    bxl = jnp.floor((x - XL) / BSX).astype(jnp.int32)
    byl = jnp.floor((y - YL) / BSY).astype(jnp.int32)
    area = jnp.zeros((N,), jnp.float32)
    # cell size <= 2.0 and bin size 1.0 -> each node spans at most 3 bins per axis; 4 is safe
    for dx in range(4):
        bx = bxl + dx
        ox = jnp.minimum(x_max, XL + (bx + 1).astype(jnp.float32) * BSX) - jnp.maximum(x, XL + bx.astype(jnp.float32) * BSX)
        ox = jnp.maximum(ox, 0.0)
        vx = (bx >= 0) & (bx < NBX)
        bxc = jnp.clip(bx, 0, NBX - 1)
        for dy in range(4):
            by = byl + dy
            oy = jnp.minimum(y_max, YL + (by + 1).astype(jnp.float32) * BSY) - jnp.maximum(y, YL + by.astype(jnp.float32) * BSY)
            oy = jnp.maximum(oy, 0.0)
            v = vx & (by >= 0) & (by < NBY)
            byc = jnp.clip(by, 0, NBY - 1)
            u = utilization_map[bxc, byc]  # gather
            area = area + jnp.where(v, ox * oy * u, 0.0)
    return area


def reference(pos, node_size_x, node_size_y, utilization_map, pin_weights):
    area = _node_area(pos, node_size_x, node_size_y, utilization_map)
    N = NUM_MOVABLE
    # ComputeNodeAreaFromPinMap scaling: output *= pin_weights / (sx * sy * unit_pin_capacity)
    scale = pin_weights / (node_size_x[:N] * node_size_y[:N] * UNIT_PIN_CAPACITY)
    return area * scale

if __name__ == "__main__":
    import jax
    _d = setup_inputs()
    print(jax.jit(kernel)(*tuple(_d.values())))

</pallas_src>

<mosaic_0001>
#map = affine_map<(d0, d1) -> (0)>
module attributes {stable_mosaic.version = 14 : i64} {
  func.func @_body(%arg0: i32, %arg1: i32, %arg2: memref<1003520xf32, #tpu.memory_space<hbm>>, %arg3: memref<1003520xf32, #tpu.memory_space<hbm>>, %arg4: memref<1003520xf32, #tpu.memory_space<hbm>>, %arg5: memref<1003520xf32, #tpu.memory_space<hbm>>, %arg6: memref<1003520xf32, #tpu.memory_space<hbm>>, %arg7: memref<524288xi32, #tpu.memory_space<hbm>>, %arg8: memref<1003520xf32, #tpu.memory_space<hbm>>, %arg9: memref<524288xi32, #tpu.memory_space<vmem_shared>>, %arg10: memref<1568xf32, #tpu.memory_space<vmem>>, %arg11: memref<1568xf32, #tpu.memory_space<vmem>>, %arg12: memref<1568xf32, #tpu.memory_space<vmem>>, %arg13: memref<1568xf32, #tpu.memory_space<vmem>>, %arg14: memref<1568xf32, #tpu.memory_space<vmem>>, %arg15: memref<1568xf32, #tpu.memory_space<vmem>>, %arg16: memref<1568xf32, #tpu.memory_space<vmem>>, %arg17: memref<1568xf32, #tpu.memory_space<vmem>>, %arg18: memref<9408xi32, #tpu.memory_space<vmem>>, %arg19: memref<9408xi32, #tpu.memory_space<vmem>>, %arg20: memref<6272xf32, #tpu.memory_space<vmem>>, %arg21: memref<6272xf32, #tpu.memory_space<vmem>>, %arg22: memref<4704xf32, #tpu.memory_space<vmem>>, %arg23: memref<4704xf32, #tpu.memory_space<vmem>>, %arg24: memref<9408xi32, #tpu.memory_space<vmem>>, %arg25: memref<9408xi32, #tpu.memory_space<vmem>>, %arg26: memref<1568xf32, #tpu.memory_space<vmem>>, %arg27: memref<1568xf32, #tpu.memory_space<vmem>>, %arg28: memref<!tpu.dma_semaphore, #tpu.memory_space<semaphore_mem>>, %arg29: memref<!tpu.dma_semaphore, #tpu.memory_space<semaphore_mem>>) attributes {dimension_semantics = [#tpu.dimension_semantics<core_parallel>, #tpu.dimension_semantics<subcore_parallel>], iteration_bounds = array<i64: 2, 16>, scalar_prefetch = 0 : i64, scratch_operands = 21 : i64, tpu.core_type = #tpu.core_type<sc_vector_subcore>, window_params = [{transform_indices = #map}, {transform_indices = #map}, {transform_indices = #map}, {transform_indices = #map}, {transform_indices = #map}, {transform_indices = #map}, {transform_indices = #map}]} {
    %mul3A = arith.constant 2 : i32
    %mul3A_0 = arith.muli %arg1, %mul3A : i32
    %add3A = arith.addi %mul3A_0, %arg0 : i32
    %eq3A = arith.constant 0 : i32
    %eq3A_1 = arith.cmpi eq, %arg1, %eq3A : i32
    %convert_element_type3A = arith.extui %eq3A_1 : i1 to i32
    %cond3A = arith.constant 0 : i32
    %cond3A_2 = arith.cmpi ne, %convert_element_type3A, %cond3A : i32
    scf.if %cond3A_2 {
      "tpu.region"() ({
        %run_scoped3A = tpu.sem_alloc : memref<!tpu.dma_semaphore, #tpu.memory_space<semaphore_mem>>
        tpu.enqueue_dma source(%arg7 : memref<524288xi32, #tpu.memory_space<hbm>>) target(%arg9 : memref<524288xi32, #tpu.memory_space<vmem_shared>>) target_semaphore(%run_scoped3A : memref<!tpu.dma_semaphore, #tpu.memory_space<semaphore_mem>>)
        tpu.wait_dma2 semaphore(%run_scoped3A : memref<!tpu.dma_semaphore, #tpu.memory_space<semaphore_mem>>) src(%arg7 : memref<524288xi32, #tpu.memory_space<hbm>>) dst(%arg9 : memref<524288xi32, #tpu.memory_space<vmem_shared>>)
        tpu.yield
      }) : () -> ()
    } else {
    }
    %barrier3A = arith.constant 0 : index
    tpu.barrier barrier_id(%barrier3A)
    %scan3A = arith.constant 0 : i32
    %scan3A_3 = arith.constant 0 : i32
    %scan3A_4 = arith.constant 10 : i32
    %scan3A_5 = arith.addi %scan3A_3, %scan3A_4 : i32
    %scan3A_6 = arith.constant 1 : i32
    %scan3A_7 = scf.for %scan3A_21 = %scan3A_3 to %scan3A_5 step %scan3A_6 iter_args(%scan3A_22 = %scan3A) -> (i32)  : i32 {
      %mul3A_23 = arith.constant 2 : i32
      %mul3A_24 = arith.muli %mul3A_23, %scan3A_21 : i32
      %mul3A_25 = arith.constant 2 : i32
      %mul3A_26 = arith.muli %mul3A_25, %scan3A_21 : i32
      %add3A_27 = arith.constant 1 : i32
      %add3A_28 = arith.addi %mul3A_26, %add3A_27 : i32
      %mul3A_29 = arith.constant 31360 : i32
      %mul3A_30 = arith.muli %add3A, %mul3A_29 : i32
      %mul3A_31 = arith.constant 1568 : i32
      %mul3A_32 = arith.muli %mul3A_24, %mul3A_31 : i32
      %add3A_33 = arith.addi %mul3A_30, %mul3A_32 : i32
      "tpu.region"() ({
        %run_scoped3A = tpu.sem_alloc : memref<!tpu.dma_semaphore, #tpu.memory_space<semaphore_mem>>
        %dma_start3A_75 = tpu.memref_slice %arg2[%add3A_33] : memref<1003520xf32, #tpu.memory_space<hbm>> -> memref<1568xf32, #tpu.memory_space<hbm>>
        %dma_start3A_76 = tpu.memref_slice %arg2[%add3A_33] : memref<1003520xf32, #tpu.memory_space<hbm>> -> memref<1568xf32, #tpu.memory_space<hbm>>
        tpu.enqueue_dma source(%dma_start3A_76 : memref<1568xf32, #tpu.memory_space<hbm>>) target(%arg10 : memref<1568xf32, #tpu.memory_space<vmem>>) target_semaphore(%run_scoped3A : memref<!tpu.dma_semaphore, #tpu.memory_space<semaphore_mem>>)
        %dma_wait3A_77 = tpu.memref_slice %arg2[%add3A_33] : memref<1003520xf32, #tpu.memory_space<hbm>> -> memref<1568xf32, #tpu.memory_space<hbm>>
        %dma_wait3A_78 = tpu.memref_slice %arg2[%add3A_33] : memref<1003520xf32, #tpu.memory_space<hbm>> -> memref<1568xf32, #tpu.memory_space<hbm>>
        tpu.wait_dma2 semaphore(%run_scoped3A : memref<!tpu.dma_semaphore, #tpu.memory_space<semaphore_mem>>) src(%dma_wait3A_78 : memref<1568xf32, #tpu.memory_space<hbm>>) dst(%arg10 : memref<1568xf32, #tpu.memory_space<vmem>>)
        tpu.yield
      }) : () -> ()
      "tpu.region"() ({
        %run_scoped3A = tpu.sem_alloc : memref<!tpu.dma_semaphore, #tpu.memory_space<semaphore_mem>>
        %dma_start3A_75 = tpu.memref_slice %arg3[%add3A_33] : memref<1003520xf32, #tpu.memory_space<hbm>> -> memref<1568xf32, #tpu.memory_space<hbm>>
        %dma_start3A_76 = tpu.memref_slice %arg3[%add3A_33] : memref<1003520xf32, #tpu.memory_space<hbm>> -> memref<1568xf32, #tpu.memory_space<hbm>>
        tpu.enqueue_dma source(%dma_start3A_76 : memref<1568xf32, #tpu.memory_space<hbm>>) target(%arg11 : memref<1568xf32, #tpu.memory_space<vmem>>) target_semaphore(%run_scoped3A : memref<!tpu.dma_semaphore, #tpu.memory_space<semaphore_mem>>)
        %dma_wait3A_77 = tpu.memref_slice %arg3[%add3A_33] : memref<1003520xf32, #tpu.memory_space<hbm>> -> memref<1568xf32, #tpu.memory_space<hbm>>
        %dma_wait3A_78 = tpu.memref_slice %arg3[%add3A_33] : memref<1003520xf32, #tpu.memory_space<hbm>> -> memref<1568xf32, #tpu.memory_space<hbm>>
        tpu.wait_dma2 semaphore(%run_scoped3A : memref<!tpu.dma_semaphore, #tpu.memory_space<semaphore_mem>>) src(%dma_wait3A_78 : memref<1568xf32, #tpu.memory_space<hbm>>) dst(%arg11 : memref<1568xf32, #tpu.memory_space<vmem>>)
        tpu.yield
      }) : () -> ()
      "tpu.region"() ({
        %run_scoped3A = tpu.sem_alloc : memref<!tpu.dma_semaphore, #tpu.memory_space<semaphore_mem>>
        %dma_start3A_75 = tpu.memref_slice %arg4[%add3A_33] : memref<1003520xf32, #tpu.memory_space<hbm>> -> memref<1568xf32, #tpu.memory_space<hbm>>
        %dma_start3A_76 = tpu.memref_slice %arg4[%add3A_33] : memref<1003520xf32, #tpu.memory_space<hbm>> -> memref<1568xf32, #tpu.memory_space<hbm>>
        tpu.enqueue_dma source(%dma_start3A_76 : memref<1568xf32, #tpu.memory_space<hbm>>) target(%arg12 : memref<1568xf32, #tpu.memory_space<vmem>>) target_semaphore(%run_scoped3A : memref<!tpu.dma_semaphore, #tpu.memory_space<semaphore_mem>>)
        %dma_wait3A_77 = tpu.memref_slice %arg4[%add3A_33] : memref<1003520xf32, #tpu.memory_space<hbm>> -> memref<1568xf32, #tpu.memory_space<hbm>>
        %dma_wait3A_78 = tpu.memref_slice %arg4[%add3A_33] : memref<1003520xf32, #tpu.memory_space<hbm>> -> memref<1568xf32, #tpu.memory_space<hbm>>
        tpu.wait_dma2 semaphore(%run_scoped3A : memref<!tpu.dma_semaphore, #tpu.memory_space<semaphore_mem>>) src(%dma_wait3A_78 : memref<1568xf32, #tpu.memory_space<hbm>>) dst(%arg12 : memref<1568xf32, #tpu.memory_space<vmem>>)
        tpu.yield
      }) : () -> ()
      "tpu.region"() ({
        %run_scoped3A = tpu.sem_alloc : memref<!tpu.dma_semaphore, #tpu.memory_space<semaphore_mem>>
        %dma_start3A_75 = tpu.memref_slice %arg5[%add3A_33] : memref<1003520xf32, #tpu.memory_space<hbm>> -> memref<1568xf32, #tpu.memory_space<hbm>>
        %dma_start3A_76 = tpu.memref_slice %arg5[%add3A_33] : memref<1003520xf32, #tpu.memory_space<hbm>> -> memref<1568xf32, #tpu.memory_space<hbm>>
        tpu.enqueue_dma source(%dma_start3A_76 : memref<1568xf32, #tpu.memory_space<hbm>>) target(%arg14 : memref<1568xf32, #tpu.memory_space<vmem>>) target_semaphore(%run_scoped3A : memref<!tpu.dma_semaphore, #tpu.memory_space<semaphore_mem>>)
        %dma_wait3A_77 = tpu.memref_slice %arg5[%add3A_33] : memref<1003520xf32, #tpu.memory_space<hbm>> -> memref<1568xf32, #tpu.memory_space<hbm>>
        %dma_wait3A_78 = tpu.memref_slice %arg5[%add3A_33] : memref<1003520xf32, #tpu.memory_space<hbm>> -> memref<1568xf32, #tpu.memory_space<hbm>>
        tpu.wait_dma2 semaphore(%run_scoped3A : memref<!tpu.dma_semaphore, #tpu.memory_space<semaphore_mem>>) src(%dma_wait3A_78 : memref<1568xf32, #tpu.memory_space<hbm>>) dst(%arg14 : memref<1568xf32, #tpu.memory_space<vmem>>)
        tpu.yield
      }) : () -> ()
      "tpu.region"() ({
        %run_scoped3A = tpu.sem_alloc : memref<!tpu.dma_semaphore, #tpu.memory_space<semaphore_mem>>
        %dma_start3A_75 = tpu.memref_slice %arg6[%add3A_33] : memref<1003520xf32, #tpu.memory_space<hbm>> -> memref<1568xf32, #tpu.memory_space<hbm>>
        %dma_start3A_76 = tpu.memref_slice %arg6[%add3A_33] : memref<1003520xf32, #tpu.memory_space<hbm>> -> memref<1568xf32, #tpu.memory_space<hbm>>
        tpu.enqueue_dma source(%dma_start3A_76 : memref<1568xf32, #tpu.memory_space<hbm>>) target(%arg16 : memref<1568xf32, #tpu.memory_space<vmem>>) target_semaphore(%run_scoped3A : memref<!tpu.dma_semaphore, #tpu.memory_space<semaphore_mem>>)
        %dma_wait3A_77 = tpu.memref_slice %arg6[%add3A_33] : memref<1003520xf32, #tpu.memory_space<hbm>> -> memref<1568xf32, #tpu.memory_space<hbm>>
        %dma_wait3A_78 = tpu.memref_slice %arg6[%add3A_33] : memref<1003520xf32, #tpu.memory_space<hbm>> -> memref<1568xf32, #tpu.memory_space<hbm>>
        tpu.wait_dma2 semaphore(%run_scoped3A : memref<!tpu.dma_semaphore, #tpu.memory_space<semaphore_mem>>) src(%dma_wait3A_78 : memref<1568xf32, #tpu.memory_space<hbm>>) dst(%arg16 : memref<1568xf32, #tpu.memory_space<vmem>>)
        tpu.yield
      }) : () -> ()
      %scan3A_34 = arith.constant 0 : i32
      %scan3A_35 = arith.constant 0 : i32
      %scan3A_36 = arith.constant 98 : i32
      %scan3A_37 = arith.addi %scan3A_35, %scan3A_36 : i32
      %scan3A_38 = arith.constant 1 : i32
      %scan3A_39 = scf.for %scan3A_75 = %scan3A_35 to %scan3A_37 step %scan3A_38 iter_args(%scan3A_76 = %scan3A_34) -> (i32)  : i32 {
        %mul3A_77 = arith.constant 16 : i32
        %mul3A_78 = arith.muli %scan3A_75, %mul3A_77 : i32
        %get3A = arith.index_cast %mul3A_78 : i32 to index
        %get3A_79 = tpu.vector_load %arg10[%get3A] {strides = array<i32>} : memref<1568xf32, #tpu.memory_space<vmem>>, vector<16xf32>,
        %get3A_80 = vector.shape_cast %get3A_79 : vector<16xf32> to vector<16xf32>
        %get3A_81 = arith.index_cast %mul3A_78 : i32 to index
        %get3A_82 = tpu.vector_load %arg11[%get3A_81] {strides = array<i32>} : memref<1568xf32, #tpu.memory_space<vmem>>, vector<16xf32>,
        %get3A_83 = vector.shape_cast %get3A_82 : vector<16xf32> to vector<16xf32>
        %get3A_84 = arith.index_cast %mul3A_78 : i32 to index
        %get3A_85 = tpu.vector_load %arg12[%get3A_84] {strides = array<i32>} : memref<1568xf32, #tpu.memory_space<vmem>>, vector<16xf32>,
        %get3A_86 = vector.shape_cast %get3A_85 : vector<16xf32> to vector<16xf32>
        %get3A_87 = arith.index_cast %mul3A_78 : i32 to index
        %get3A_88 = tpu.vector_load %arg14[%get3A_87] {strides = array<i32>} : memref<1568xf32, #tpu.memory_space<vmem>>, vector<16xf32>,
        %get3A_89 = vector.shape_cast %get3A_88 : vector<16xf32> to vector<16xf32>
        %add3A_90 = arith.addf %get3A_80, %get3A_86 : vector<16xf32>
        %add3A_91 = arith.addf %get3A_83, %get3A_89 : vector<16xf32>
        %convert_element_type3A_92 = arith.fptosi %get3A_80 : vector<16xf32> to vector<16xi32>
        %convert_element_type3A_93 = arith.fptosi %get3A_83 : vector<16xf32> to vector<16xi32>
        %convert_element_type3A_94 = arith.sitofp %convert_element_type3A_92 : vector<16xi32> to vector<16xf32>
        %convert_element_type3A_95 = arith.sitofp %convert_element_type3A_93 : vector<16xi32> to vector<16xf32>
        %add3A_96 = arith.constant 1.000000e+00 : f32
        %add3A_97 = vector.broadcast %add3A_96 : f32 to vector<16xf32>
        %add3A_98 = arith.addf %convert_element_type3A_94, %add3A_97 : vector<16xf32>
        %min3A = arith.minimumf %add3A_90, %add3A_98 : vector<16xf32>
        %add3A_99 = arith.constant 0.000000e+00 : f32
        %add3A_100 = vector.broadcast %add3A_99 : f32 to vector<16xf32>
        %add3A_101 = arith.addf %convert_element_type3A_94, %add3A_100 : vector<16xf32>
        %max3A = arith.maximumf %get3A_80, %add3A_101 : vector<16xf32>
        %sub3A = arith.subf %min3A, %max3A : vector<16xf32>
        %max3A_102 = arith.constant 0.000000e+00 : f32
        %max3A_103 = vector.broadcast %max3A_102 : f32 to vector<16xf32>
        %max3A_104 = arith.maximumf %sub3A, %max3A_103 : vector<16xf32>
        %add3A_105 = arith.constant 2.000000e+00 : f32
        %add3A_106 = vector.broadcast %add3A_105 : f32 to vector<16xf32>
        %add3A_107 = arith.addf %convert_element_type3A_94, %add3A_106 : vector<16xf32>
        %min3A_108 = arith.minimumf %add3A_90, %add3A_107 : vector<16xf32>
        %add3A_109 = arith.constant 1.000000e+00 : f32
        %add3A_110 = vector.broadcast %add3A_109 : f32 to vector<16xf32>
        %add3A_111 = arith.addf %convert_element_type3A_94, %add3A_110 : vector<16xf32>
        %max3A_112 = arith.maximumf %get3A_80, %add3A_111 : vector<16xf32>
        %sub3A_113 = arith.subf %min3A_108, %max3A_112 : vector<16xf32>
        %max3A_114 = arith.constant 0.000000e+00 : f32
        %max3A_115 = vector.broadcast %max3A_114 : f32 to vector<16xf32>
        %max3A_116 = arith.maximumf %sub3A_113, %max3A_115 : vector<16xf32>
        %add3A_117 = arith.constant 3.000000e+00 : f32
        %add3A_118 = vector.broadcast %add3A_117 : f32 to vector<16xf32>
        %add3A_119 = arith.addf %convert_element_type3A_94, %add3A_118 : vector<16xf32>
        %min3A_120 = arith.minimumf %add3A_90, %add3A_119 : vector<16xf32>
        %add3A_121 = arith.constant 2.000000e+00 : f32
        %add3A_122 = vector.broadcast %add3A_121 : f32 to vector<16xf32>
        %add3A_123 = arith.addf %convert_element_type3A_94, %add3A_122 : vector<16xf32>
        %max3A_124 = arith.maximumf %get3A_80, %add3A_123 : vector<16xf32>
        %sub3A_125 = arith.subf %min3A_120, %max3A_124 : vector<16xf32>
        %max3A_126 = arith.constant 0.000000e+00 : f32
        %max3A_127 = vector.broadcast %max3A_126 : f32 to vector<16xf32>
        %max3A_128 = arith.maximumf %sub3A_125, %max3A_127 : vector<16xf32>
        %add3A_129 = arith.constant 1.000000e+00 : f32
        %add3A_130 = vector.broadcast %add3A_129 : f32 to vector<16xf32>
        %add3A_131 = arith.addf %convert_element_type3A_95, %add3A_130 : vector<16xf32>
        %min3A_132 = arith.minimumf %add3A_91, %add3A_131 : vector<16xf32>
        %add3A_133 = arith.constant 0.000000e+00 : f32
        %add3A_134 = vector.broadcast %add3A_133 : f32 to vector<16xf32>
        %add3A_135 = arith.addf %convert_element_type3A_95, %add3A_134 : vector<16xf32>
        %max3A_136 = arith.maximumf %get3A_83, %add3A_135 : vector<16xf32>
        %sub3A_137 = arith.subf %min3A_132, %max3A_136 : vector<16xf32>
        %max3A_138 = arith.constant 0.000000e+00 : f32
        %max3A_139 = vector.broadcast %max3A_138 : f32 to vector<16xf32>
        %max3A_140 = arith.maximumf %sub3A_137, %max3A_139 : vector<16xf32>
        %add3A_141 = arith.constant 2.000000e+00 : f32
        %add3A_142 = vector.broadcast %add3A_141 : f32 to vector<16xf32>
        %add3A_143 = arith.addf %convert_element_type3A_95, %add3A_142 : vector<16xf32>
        %min3A_144 = arith.minimumf %add3A_91, %add3A_143 : vector<16xf32>
        %add3A_145 = arith.constant 1.000000e+00 : f32
        %add3A_146 = vector.broadcast %add3A_145 : f32 to vector<16xf32>
        %add3A_147 = arith.addf %convert_element_type3A_95, %add3A_146 : vector<16xf32>
        %max3A_148 = arith.maximumf %get3A_83, %add3A_147 : vector<16xf32>
        %sub3A_149 = arith.subf %min3A_144, %max3A_148 : vector<16xf32>
        %max3A_150 = arith.constant 0.000000e+00 : f32
        %max3A_151 = vector.broadcast %max3A_150 : f32 to vector<16xf32>
        %max3A_152 = arith.maximumf %sub3A_149, %max3A_151 : vector<16xf32>
        %add3A_153 = arith.constant 3.000000e+00 : f32
        %add3A_154 = vector.broadcast %add3A_153 : f32 to vector<16xf32>
        %add3A_155 = arith.addf %convert_element_type3A_95, %add3A_154 : vector<16xf32>
        %min3A_156 = arith.minimumf %add3A_91, %add3A_155 : vector<16xf32>
        %add3A_157 = arith.constant 2.000000e+00 : f32
        %add3A_158 = vector.broadcast %add3A_157 : f32 to vector<16xf32>
        %add3A_159 = arith.addf %convert_element_type3A_95, %add3A_158 : vector<16xf32>
        %max3A_160 = arith.maximumf %get3A_83, %add3A_159 : vector<16xf32>
        %sub3A_161 = arith.subf %min3A_156, %max3A_160 : vector<16xf32>
        %max3A_162 = arith.constant 0.000000e+00 : f32
        %max3A_163 = vector.broadcast %max3A_162 : f32 to vector<16xf32>
        %max3A_164 = arith.maximumf %sub3A_161, %max3A_163 : vector<16xf32>
        %mul3A_165 = arith.constant 5.000000e-01 : f32
        %mul3A_166 = vector.broadcast %mul3A_165 : f32 to vector<16xf32>
        %mul3A_167 = arith.mulf %get3A_80, %mul3A_166 : vector<16xf32>
        %convert_element_type3A_168 = arith.fptosi %mul3A_167 : vector<16xf32> to vector<16xi32>
        %mul3A_169 = arith.constant 1024 : i32
        %mul3A_170 = vector.broadcast %mul3A_169 : i32 to vector<16xi32>
        %mul3A_171 = arith.muli %convert_element_type3A_168, %mul3A_170 : vector<16xi32>
        %add3A_172 = arith.addi %mul3A_171, %convert_element_type3A_93 : vector<16xi32>
        %mul3A_173 = arith.constant 2 : i32
        %mul3A_174 = vector.broadcast %mul3A_173 : i32 to vector<16xi32>
        %mul3A_175 = arith.muli %mul3A_174, %convert_element_type3A_168 : vector<16xi32>
        %sub3A_176 = arith.subi %convert_element_type3A_92, %mul3A_175 : vector<16xi32>
        %convert_element_type3A_177 = arith.sitofp %sub3A_176 : vector<16xi32> to vector<16xf32>
        %sub3A_178 = arith.constant 1.000000e+00 : f32
        %sub3A_179 = vector.broadcast %sub3A_178 : f32 to vector<16xf32>
        %sub3A_180 = arith.subf %sub3A_179, %convert_element_type3A_177 : vector<16xf32>
        %mul3A_181 = arith.mulf %sub3A_180, %max3A_104 : vector<16xf32>
        %mul3A_182 = arith.mulf %sub3A_180, %max3A_116 : vector<16xf32>
        %mul3A_183 = arith.mulf %convert_element_type3A_177, %max3A_104 : vector<16xf32>
        %add3A_184 = arith.addf %mul3A_182, %mul3A_183 : vector<16xf32>
        %mul3A_185 = arith.mulf %sub3A_180, %max3A_128 : vector<16xf32>
        %mul3A_186 = arith.mulf %convert_element_type3A_177, %max3A_116 : vector<16xf32>
        %add3A_187 = arith.addf %mul3A_185, %mul3A_186 : vector<16xf32>
        %mul3A_188 = arith.mulf %convert_element_type3A_177, %max3A_128 : vector<16xf32>
        %add3A_189 = arith.constant 0 : i32
        %add3A_190 = vector.broadcast %add3A_189 : i32 to vector<16xi32>
        %add3A_191 = arith.addi %add3A_172, %add3A_190 : vector<16xi32>
        %add3A_192 = arith.constant 0 : i32
        %add3A_193 = arith.addi %add3A_192, %mul3A_78 : i32
        %swap3A = arith.index_cast %add3A_193 : i32 to index
        %swap3A_194 = tpu.vector_load %arg18[%swap3A] {strides = array<i32>} : memref<9408xi32, #tpu.memory_space<vmem>>, vector<16xi32>,
        %swap3A_195 = vector.shape_cast %swap3A_194 : vector<16xi32> to vector<16xi32>
        %swap3A_196 = vector.shape_cast %add3A_191 : vector<16xi32> to vector<16xi32>
        tpu.vector_store %arg18[%swap3A], %swap3A_196 {strides = array<i32>} : memref<9408xi32, #tpu.memory_space<vmem>>, vector<16xi32>,
        %add3A_197 = arith.constant 1024 : i32
        %add3A_198 = vector.broadcast %add3A_197 : i32 to vector<16xi32>
        %add3A_199 = arith.addi %add3A_172, %add3A_198 : vector<16xi32>
        %add3A_200 = arith.constant 1568 : i32
        %add3A_201 = arith.addi %add3A_200, %mul3A_78 : i32
        %swap3A_202 = arith.index_cast %add3A_201 : i32 to index
        %swap3A_203 = tpu.vector_load %arg18[%swap3A_202] {strides = array<i32>} : memref<9408xi32, #tpu.memory_space<vmem>>, vector<16xi32>,
        %swap3A_204 = vector.shape_cast %swap3A_203 : vector<16xi32> to vector<16xi32>
        %swap3A_205 = vector.shape_cast %add3A_199 : vector<16xi32> to vector<16xi32>
        tpu.vector_store %arg18[%swap3A_202], %swap3A_205 {strides = array<i32>} : memref<9408xi32, #tpu.memory_space<vmem>>, vector<16xi32>,
        %add3A_206 = arith.constant 1 : i32
        %add3A_207 = vector.broadcast %add3A_206 : i32 to vector<16xi32>
        %add3A_208 = arith.addi %add3A_172, %add3A_207 : vector<16xi32>
        %add3A_209 = arith.constant 3136 : i32
        %add3A_210 = arith.addi %add3A_209, %mul3A_78 : i32
        %swap3A_211 = arith.index_cast %add3A_210 : i32 to index
        %swap3A_212 = tpu.vector_load %arg18[%swap3A_211] {strides = array<i32>} : memref<9408xi32, #tpu.memory_space<vmem>>, vector<16xi32>,
        %swap3A_213 = vector.shape_cast %swap3A_212 : vector<16xi32> to vector<16xi32>
        %swap3A_214 = vector.shape_cast %add3A_208 : vector<16xi32> to vector<16xi32>
        tpu.vector_store %arg18[%swap3A_211], %swap3A_214 {strides = array<i32>} : memref<9408xi32, #tpu.memory_space<vmem>>, vector<16xi32>,
        %add3A_215 = arith.constant 1025 : i32
        %add3A_216 = vector.broadcast %add3A_215 : i32 to vector<16xi32>
        %add3A_217 = arith.addi %add3A_172, %add3A_216 : vector<16xi32>
        %add3A_218 = arith.constant 4704 : i32
        %add3A_219 = arith.addi %add3A_218, %mul3A_78 : i32
        %swap3A_220 = arith.index_cast %add3A_219 : i32 to index
        %swap3A_221 = tpu.vector_load %arg18[%swap3A_220] {strides = array<i32>} : memref<9408xi32, #tpu.memory_space<vmem>>, vector<16xi32>,
        %swap3A_222 = vector.shape_cast %swap3A_221 : vector<16xi32> to vector<16xi32>
        %swap3A_223 = vector.shape_cast %add3A_217 : vector<16xi32> to vector<16xi32>
        tpu.vector_store %arg18[%swap3A_220], %swap3A_223 {strides = array<i32>} : memref<9408xi32, #tpu.memory_space<vmem>>, vector<16xi32>,
        %add3A_224 = arith.constant 2 : i32
        %add3A_225 = vector.broadcast %add3A_224 : i32 to vector<16xi32>
        %add3A_226 = arith.addi %add3A_172, %add3A_225 : vector<16xi32>
        %add3A_227 = arith.constant 6272 : i32
        %add3A_228 = arith.addi %add3A_227, %mul3A_78 : i32
        %swap3A_229 = arith.index_cast %add3A_228 : i32 to index
        %swap3A_230 = tpu.vector_load %arg18[%swap3A_229] {strides = array<i32>} : memref<9408xi32, #tpu.memory_space<vmem>>, vector<16xi32>,
        %swap3A_231 = vector.shape_cast %swap3A_230 : vector<16xi32> to vector<16xi32>
        %swap3A_232 = vector.shape_cast %add3A_226 : vector<16xi32> to vector<16xi32>
        tpu.vector_store %arg18[%swap3A_229], %swap3A_232 {strides = array<i32>} : memref<9408xi32, #tpu.memory_space<vmem>>, vector<16xi32>,
        %add3A_233 = arith.constant 1026 : i32
        %add3A_234 = vector.broadcast %add3A_233 : i32 to vector<16xi32>
        %add3A_235 = arith.addi %add3A_172, %add3A_234 : vector<16xi32>
        %add3A_236 = arith.constant 7840 : i32
        %add3A_237 = arith.addi %add3A_236, %mul3A_78 : i32
        %swap3A_238 = arith.index_cast %add3A_237 : i32 to index
        %swap3A_239 = tpu.vector_load %arg18[%swap3A_238] {strides = array<i32>} : memref<9408xi32, #tpu.memory_space<vmem>>, vector<16xi32>,
        %swap3A_240 = vector.shape_cast %swap3A_239 : vector<16xi32> to vector<16xi32>
        %swap3A_241 = vector.shape_cast %add3A_235 : vector<16xi32> to vector<16xi32>
        tpu.vector_store %arg18[%swap3A_238], %swap3A_241 {strides = array<i32>} : memref<9408xi32, #tpu.memory_space<vmem>>, vector<16xi32>,
        %add3A_242 = arith.constant 0 : i32
        %add3A_243 = arith.addi %add3A_242, %mul3A_78 : i32
        %swap3A_244 = arith.index_cast %add3A_243 : i32 to index
        %swap3A_245 = tpu.vector_load %arg20[%swap3A_244] {strides = array<i32>} : memref<6272xf32, #tpu.memory_space<vmem>>, vector<16xf32>,
        %swap3A_246 = vector.shape_cast %swap3A_245 : vector<16xf32> to vector<16xf32>
        %swap3A_247 = vector.shape_cast %mul3A_181 : vector<16xf32> to vector<16xf32>
        tpu.vector_store %arg20[%swap3A_244], %swap3A_247 {strides = array<i32>} : memref<6272xf32, #tpu.memory_space<vmem>>, vector<16xf32>,
        %add3A_248 = arith.constant 1568 : i32
        %add3A_249 = arith.addi %add3A_248, %mul3A_78 : i32
        %swap3A_250 = arith.index_cast %add3A_249 : i32 to index
        %swap3A_251 = tpu.vector_load %arg20[%swap3A_250] {strides = array<i32>} : memref<6272xf32, #tpu.memory_space<vmem>>, vector<16xf32>,
        %swap3A_252 = vector.shape_cast %swap3A_251 : vector<16xf32> to vector<16xf32>
        %swap3A_253 = vector.shape_cast %add3A_184 : vector<16xf32> to vector<16xf32>
        tpu.vector_store %arg20[%swap3A_250], %swap3A_253 {strides = array<i32>} : memref<6272xf32, #tpu.memory_space<vmem>>, vector<16xf32>,
        %add3A_254 = arith.constant 3136 : i32
        %add3A_255 = arith.addi %add3A_254, %mul3A_78 : i32
        %swap3A_256 = arith.index_cast %add3A_255 : i32 to index
        %swap3A_257 = tpu.vector_load %arg20[%swap3A_256] {strides = array<i32>} : memref<6272xf32, #tpu.memory_space<vmem>>, vector<16xf32>,
        %swap3A_258 = vector.shape_cast %swap3A_257 : vector<16xf32> to vector<16xf32>
        %swap3A_259 = vector.shape_cast %add3A_187 : vector<16xf32> to vector<16xf32>
        tpu.vector_store %arg20[%swap3A_256], %swap3A_259 {strides = array<i32>} : memref<6272xf32, #tpu.memory_space<vmem>>, vector<16xf32>,
        %add3A_260 = arith.constant 4704 : i32
        %add3A_261 = arith.addi %add3A_260, %mul3A_78 : i32
        %swap3A_262 = arith.index_cast %add3A_261 : i32 to index
        %swap3A_263 = tpu.vector_load %arg20[%swap3A_262] {strides = array<i32>} : memref<6272xf32, #tpu.memory_space<vmem>>, vector<16xf32>,
        %swap3A_264 = vector.shape_cast %swap3A_263 : vector<16xf32> to vector<16xf32>
        %swap3A_265 = vector.shape_cast %mul3A_188 : vector<16xf32> to vector<16xf32>
        tpu.vector_store %arg20[%swap3A_262], %swap3A_265 {strides = array<i32>} : memref<6272xf32, #tpu.memory_space<vmem>>, vector<16xf32>,
        %add3A_266 = arith.constant 0 : i32
        %add3A_267 = arith.addi %add3A_266, %mul3A_78 : i32
        %swap3A_268 = arith.index_cast %add3A_267 : i32 to index
        %swap3A_269 = tpu.vector_load %arg22[%swap3A_268] {strides = array<i32>} : memref<4704xf32, #tpu.memory_space<vmem>>, vector<16xf32>,
        %swap3A_270 = vector.shape_cast %swap3A_269 : vector<16xf32> to vector<16xf32>
        %swap3A_271 = vector.shape_cast %max3A_140 : vector<16xf32> to vector<16xf32>
        tpu.vector_store %arg22[%swap3A_268], %swap3A_271 {strides = array<i32>} : memref<4704xf32, #tpu.memory_space<vmem>>, vector<16xf32>,
        %add3A_272 = arith.constant 1568 : i32
        %add3A_273 = arith.addi %add3A_272, %mul3A_78 : i32
        %swap3A_274 = arith.index_cast %add3A_273 : i32 to index
        %swap3A_275 = tpu.vector_load %arg22[%swap3A_274] {strides = array<i32>} : memref<4704xf32, #tpu.memory_space<vmem>>, vector<16xf32>,
        %swap3A_276 = vector.shape_cast %swap3A_275 : vector<16xf32> to vector<16xf32>
        %swap3A_277 = vector.shape_cast %max3A_152 : vector<16xf32> to vector<16xf32>
        tpu.vector_store %arg22[%swap3A_274], %swap3A_277 {strides = array<i32>} : memref<4704xf32, #tpu.memory_space<vmem>>, vector<16xf32>,
        %add3A_278 = arith.constant 3136 : i32
        %add3A_279 = arith.addi %add3A_278, %mul3A_78 : i32
        %swap3A_280 = arith.index_cast %add3A_279 : i32 to index
        %swap3A_281 = tpu.vector_load %arg22[%swap3A_280] {strides = array<i32>} : memref<4704xf32, #tpu.memory_space<vmem>>, vector<16xf32>,
        %swap3A_282 = vector.shape_cast %swap3A_281 : vector<16xf32> to vector<16xf32>
        %swap3A_283 = vector.shape_cast %max3A_164 : vector<16xf32> to vector<16xf32>
        tpu.vector_store %arg22[%swap3A_280], %swap3A_283 {strides = array<i32>} : memref<4704xf32, #tpu.memory_space<vmem>>, vector<16xf32>,
        %scan3A_284 = arith.constant 0 : i32
        scf.yield %scan3A_284 : i32
      }
      %scan3A_40 = arith.constant 98 : i32
      %dma_start3A = arith.constant 0 : i32
      %dma_start3A_41 = tpu.memref_slice %arg9[%dma_start3A] : memref<524288xi32, #tpu.memory_space<vmem_shared>> -> memref<524288xi32, #tpu.memory_space<vmem_shared>>
      tpu.enqueue_indirect_dma source(%dma_start3A_41 : memref<524288xi32, #tpu.memory_space<vmem_shared>>) target(%arg24 : memref<9408xi32, #tpu.memory_space<vmem>>) offsets(%arg18 : memref<9408xi32, #tpu.memory_space<vmem>>) semaphore(%arg28 : memref<!tpu.dma_semaphore, #tpu.memory_space<semaphore_mem>>)
      %gt3A = arith.constant 0 : i32
      %gt3A_42 = arith.cmpi sgt, %scan3A_21, %gt3A : i32
      %convert_element_type3A_43 = arith.extui %gt3A_42 : i1 to i32
      %cond3A_44 = arith.constant 0 : i32
      %cond3A_45 = arith.cmpi ne, %convert_element_type3A_43, %cond3A_44 : i32
      scf.if %cond3A_45 {
        %dma_wait3A_75 = arith.constant 0 : i32
        %dma_wait3A_76 = tpu.memref_slice %arg9[%dma_wait3A_75] : memref<524288xi32, #tpu.memory_space<vmem_shared>> -> memref<524288xi32, #tpu.memory_space<vmem_shared>>
        tpu.wait_indirect_dma semaphore(%arg29 : memref<!tpu.dma_semaphore, #tpu.memory_space<semaphore_mem>>) src(%dma_wait3A_76 : memref<524288xi32, #tpu.memory_space<vmem_shared>>) dst(%arg25 : memref<9408xi32, #tpu.memory_space<vmem>>)
        %sub3A = arith.constant 1 : i32
        %sub3A_77 = arith.subi %mul3A_24, %sub3A : i32
        %scan3A_78 = arith.constant 0 : i32
        %scan3A_79 = arith.constant 0 : i32
        %scan3A_80 = arith.constant 98 : i32
        %scan3A_81 = arith.addi %scan3A_79, %scan3A_80 : i32
        %scan3A_82 = arith.constant 1 : i32
        %scan3A_83 = scf.for %scan3A_90 = %scan3A_79 to %scan3A_81 step %scan3A_82 iter_args(%scan3A_91 = %scan3A_78) -> (i32)  : i32 {
          %mul3A_92 = arith.constant 16 : i32
          %mul3A_93 = arith.muli %scan3A_90, %mul3A_92 : i32
          %add3A_94 = arith.constant 0 : i32
          %add3A_95 = arith.addi %add3A_94, %mul3A_93 : i32
          %get3A = arith.index_cast %add3A_95 : i32 to index
          %get3A_96 = tpu.vector_load %arg21[%get3A] {strides = array<i32>} : memref<6272xf32, #tpu.memory_space<vmem>>, vector<16xf32>,
          %get3A_97 = vector.shape_cast %get3A_96 : vector<16xf32> to vector<16xf32>
          %add3A_98 = arith.constant 1568 : i32
          %add3A_99 = arith.addi %add3A_98, %mul3A_93 : i32
          %get3A_100 = arith.index_cast %add3A_99 : i32 to index
          %get3A_101 = tpu.vector_load %arg21[%get3A_100] {strides = array<i32>} : memref<6272xf32, #tpu.memory_space<vmem>>, vector<16xf32>,
          %get3A_102 = vector.shape_cast %get3A_101 : vector<16xf32> to vector<16xf32>
          %add3A_103 = arith.constant 3136 : i32
          %add3A_104 = arith.addi %add3A_103, %mul3A_93 : i32
          %get3A_105 = arith.index_cast %add3A_104 : i32 to index
          %get3A_106 = tpu.vector_load %arg21[%get3A_105] {strides = array<i32>} : memref<6272xf32, #tpu.memory_space<vmem>>, vector<16xf32>,
          %get3A_107 = vector.shape_cast %get3A_106 : vector<16xf32> to vector<16xf32>
          %add3A_108 = arith.constant 4704 : i32
          %add3A_109 = arith.addi %add3A_108, %mul3A_93 : i32
          %get3A_110 = arith.index_cast %add3A_109 : i32 to index
          %get3A_111 = tpu.vector_load %arg21[%get3A_110] {strides = array<i32>} : memref<6272xf32, #tpu.memory_space<vmem>>, vector<16xf32>,
          %get3A_112 = vector.shape_cast %get3A_111 : vector<16xf32> to vector<16xf32>
          %broadcast_in_dim3A = arith.constant 0.000000e+00 : f32
          %broadcast_in_dim3A_113 = vector.broadcast %broadcast_in_dim3A : f32 to vector<16xf32>
          %add3A_114 = arith.constant 0 : i32
          %add3A_115 = arith.addi %add3A_114, %mul3A_93 : i32
          %get3A_116 = arith.index_cast %add3A_115 : i32 to index
          %get3A_117 = tpu.vector_load %arg25[%get3A_116] {strides = array<i32>} : memref<9408xi32, #tpu.memory_space<vmem>>, vector<16xi32>,
          %get3A_118 = vector.shape_cast %get3A_117 : vector<16xi32> to vector<16xi32>
          %add3A_119 = arith.constant 1568 : i32
          %add3A_120 = arith.addi %add3A_119, %mul3A_93 : i32
          %get3A_121 = arith.index_cast %add3A_120 : i32 to index
          %get3A_122 = tpu.vector_load %arg25[%get3A_121] {strides = array<i32>} : memref<9408xi32, #tpu.memory_space<vmem>>, vector<16xi32>,
          %get3A_123 = vector.shape_cast %get3A_122 : vector<16xi32> to vector<16xi32>
          %shift_left3A = arith.constant 16 : i32
          %shift_left3A_124 = vector.broadcast %shift_left3A : i32 to vector<16xi32>
          %shift_left3A_125 = arith.shli %get3A_118, %shift_left3A_124 : vector<16xi32>
          %bitcast_convert_type3A = tpu.bitcast %shift_left3A_125 : vector<16xi32> -> vector<16xf32>
          %mul3A_126 = arith.mulf %bitcast_convert_type3A, %get3A_97 : vector<16xf32>
          %and3A = arith.constant -65536 : i32
          %and3A_127 = vector.broadcast %and3A : i32 to vector<16xi32>
          %and3A_128 = arith.andi %get3A_118, %and3A_127 : vector<16xi32>
          %bitcast_convert_type3A_129 = tpu.bitcast %and3A_128 : vector<16xi32> -> vector<16xf32>
          %mul3A_130 = arith.mulf %bitcast_convert_type3A_129, %get3A_102 : vector<16xf32>
          %add3A_131 = arith.addf %mul3A_126, %mul3A_130 : vector<16xf32>
          %shift_left3A_132 = arith.constant 16 : i32
          %shift_left3A_133 = vector.broadcast %shift_left3A_132 : i32 to vector<16xi32>
          %shift_left3A_134 = arith.shli %get3A_123, %shift_left3A_133 : vector<16xi32>
          %bitcast_convert_type3A_135 = tpu.bitcast %shift_left3A_134 : vector<16xi32> -> vector<16xf32>
          %mul3A_136 = arith.mulf %bitcast_convert_type3A_135, %get3A_107 : vector<16xf32>
          %add3A_137 = arith.addf %add3A_131, %mul3A_136 : vector<16xf32>
          %and3A_138 = arith.constant -65536 : i32
          %and3A_139 = vector.broadcast %and3A_138 : i32 to vector<16xi32>
          %and3A_140 = arith.andi %get3A_123, %and3A_139 : vector<16xi32>
          %bitcast_convert_type3A_141 = tpu.bitcast %and3A_140 : vector<16xi32> -> vector<16xf32>
          %mul3A_142 = arith.mulf %bitcast_convert_type3A_141, %get3A_112 : vector<16xf32>
          %add3A_143 = arith.addf %add3A_137, %mul3A_142 : vector<16xf32>
          %add3A_144 = arith.constant 0 : i32
          %add3A_145 = arith.addi %add3A_144, %mul3A_93 : i32
          %get3A_146 = arith.index_cast %add3A_145 : i32 to index
          %get3A_147 = tpu.vector_load %arg23[%get3A_146] {strides = array<i32>} : memref<4704xf32, #tpu.memory_space<vmem>>, vector<16xf32>,
          %get3A_148 = vector.shape_cast %get3A_147 : vector<16xf32> to vector<16xf32>
          %mul3A_149 = arith.mulf %get3A_148, %add3A_143 : vector<16xf32>
          %add3A_150 = arith.addf %broadcast_in_dim3A_113, %mul3A_149 : vector<16xf32>
          %add3A_151 = arith.constant 3136 : i32
          %add3A_152 = arith.addi %add3A_151, %mul3A_93 : i32
          %get3A_153 = arith.index_cast %add3A_152 : i32 to index
          %get3A_154 = tpu.vector_load %arg25[%get3A_153] {strides = array<i32>} : memref<9408xi32, #tpu.memory_space<vmem>>, vector<16xi32>,
          %get3A_155 = vector.shape_cast %get3A_154 : vector<16xi32> to vector<16xi32>
          %add3A_156 = arith.constant 4704 : i32
          %add3A_157 = arith.addi %add3A_156, %mul3A_93 : i32
          %get3A_158 = arith.index_cast %add3A_157 : i32 to index
          %get3A_159 = tpu.vector_load %arg25[%get3A_158] {strides = array<i32>} : memref<9408xi32, #tpu.memory_space<vmem>>, vector<16xi32>,
          %get3A_160 = vector.shape_cast %get3A_159 : vector<16xi32> to vector<16xi32>
          %shift_left3A_161 = arith.constant 16 : i32
          %shift_left3A_162 = vector.broadcast %shift_left3A_161 : i32 to vector<16xi32>
          %shift_left3A_163 = arith.shli %get3A_155, %shift_left3A_162 : vector<16xi32>
          %bitcast_convert_type3A_164 = tpu.bitcast %shift_left3A_163 : vector<16xi32> -> vector<16xf32>
          %mul3A_165 = arith.mulf %bitcast_convert_type3A_164, %get3A_97 : vector<16xf32>
          %and3A_166 = arith.constant -65536 : i32
          %and3A_167 = vector.broadcast %and3A_166 : i32 to vector<16xi32>
          %and3A_168 = arith.andi %get3A_155, %and3A_167 : vector<16xi32>
          %bitcast_convert_type3A_169 = tpu.bitcast %and3A_168 : vector<16xi32> -> vector<16xf32>
          %mul3A_170 = arith.mulf %bitcast_convert_type3A_169, %get3A_102 : vector<16xf32>
          %add3A_171 = arith.addf %mul3A_165, %mul3A_170 : vector<16xf32>
          %shift_left3A_172 = arith.constant 16 : i32
          %shift_left3A_173 = vector.broadcast %shift_left3A_172 : i32 to vector<16xi32>
          %shift_left3A_174 = arith.shli %get3A_160, %shift_left3A_173 : vector<16xi32>
          %bitcast_convert_type3A_175 = tpu.bitcast %shift_left3A_174 : vector<16xi32> -> vector<16xf32>
          %mul3A_176 = arith.mulf %bitcast_convert_type3A_175, %get3A_107 : vector<16xf32>
          %add3A_177 = arith.addf %add3A_171, %mul3A_176 : vector<16xf32>
          %and3A_178 = arith.constant -65536 : i32
          %and3A_179 = vector.broadcast %and3A_178 : i32 to vector<16xi32>
          %and3A_180 = arith.andi %get3A_160, %and3A_179 : vector<16xi32>
          %bitcast_convert_type3A_181 = tpu.bitcast %and3A_180 : vector<16xi32> -> vector<16xf32>
          %mul3A_182 = arith.mulf %bitcast_convert_type3A_181, %get3A_112 : vector<16xf32>
          %add3A_183 = arith.addf %add3A_177, %mul3A_182 : vector<16xf32>
          %add3A_184 = arith.constant 1568 : i32
          %add3A_185 = arith.addi %add3A_184, %mul3A_93 : i32
          %get3A_186 = arith.index_cast %add3A_185 : i32 to index
          %get3A_187 = tpu.vector_load %arg23[%get3A_186] {strides = array<i32>} : memref<4704xf32, #tpu.memory_space<vmem>>, vector<16xf32>,
          %get3A_188 = vector.shape_cast %get3A_187 : vector<16xf32> to vector<16xf32>
          %mul3A_189 = arith.mulf %get3A_188, %add3A_183 : vector<16xf32>
          %add3A_190 = arith.addf %add3A_150, %mul3A_189 : vector<16xf32>
          %add3A_191 = arith.constant 6272 : i32
          %add3A_192 = arith.addi %add3A_191, %mul3A_93 : i32
          %get3A_193 = arith.index_cast %add3A_192 : i32 to index
          %get3A_194 = tpu.vector_load %arg25[%get3A_193] {strides = array<i32>} : memref<9408xi32, #tpu.memory_space<vmem>>, vector<16xi32>,
          %get3A_195 = vector.shape_cast %get3A_194 : vector<16xi32> to vector<16xi32>
          %add3A_196 = arith.constant 7840 : i32
          %add3A_197 = arith.addi %add3A_196, %mul3A_93 : i32
          %get3A_198 = arith.index_cast %add3A_197 : i32 to index
          %get3A_199 = tpu.vector_load %arg25[%get3A_198] {strides = array<i32>} : memref<9408xi32, #tpu.memory_space<vmem>>, vector<16xi32>,
          %get3A_200 = vector.shape_cast %get3A_199 : vector<16xi32> to vector<16xi32>
          %shift_left3A_201 = arith.constant 16 : i32
          %shift_left3A_202 = vector.broadcast %shift_left3A_201 : i32 to vector<16xi32>
          %shift_left3A_203 = arith.shli %get3A_195, %shift_left3A_202 : vector<16xi32>
          %bitcast_convert_type3A_204 = tpu.bitcast %shift_left3A_203 : vector<16xi32> -> vector<16xf32>
          %mul3A_205 = arith.mulf %bitcast_convert_type3A_204, %get3A_97 : vector<16xf32>
          %and3A_206 = arith.constant -65536 : i32
          %and3A_207 = vector.broadcast %and3A_206 : i32 to vector<16xi32>
          %and3A_208 = arith.andi %get3A_195, %and3A_207 : vector<16xi32>
          %bitcast_convert_type3A_209 = tpu.bitcast %and3A_208 : vector<16xi32> -> vector<16xf32>
          %mul3A_210 = arith.mulf %bitcast_convert_type3A_209, %get3A_102 : vector<16xf32>
          %add3A_211 = arith.addf %mul3A_205, %mul3A_210 : vector<16xf32>
          %shift_left3A_212 = arith.constant 16 : i32
          %shift_left3A_213 = vector.broadcast %shift_left3A_212 : i32 to vector<16xi32>
          %shift_left3A_214 = arith.shli %get3A_200, %shift_left3A_213 : vector<16xi32>
          %bitcast_convert_type3A_215 = tpu.bitcast %shift_left3A_214 : vector<16xi32> -> vector<16xf32>
          %mul3A_216 = arith.mulf %bitcast_convert_type3A_215, %get3A_107 : vector<16xf32>
          %add3A_217 = arith.addf %add3A_211, %mul3A_216 : vector<16xf32>
          %and3A_218 = arith.constant -65536 : i32
          %and3A_219 = vector.broadcast %and3A_218 : i32 to vector<16xi32>
          %and3A_220 = arith.andi %get3A_200, %and3A_219 : vector<16xi32>
          %bitcast_convert_type3A_221 = tpu.bitcast %and3A_220 : vector<16xi32> -> vector<16xf32>
          %mul3A_222 = arith.mulf %bitcast_convert_type3A_221, %get3A_112 : vector<16xf32>
          %add3A_223 = arith.addf %add3A_217, %mul3A_222 : vector<16xf32>
          %add3A_224 = arith.constant 3136 : i32
          %add3A_225 = arith.addi %add3A_224, %mul3A_93 : i32
          %get3A_226 = arith.index_cast %add3A_225 : i32 to index
          %get3A_227 = tpu.vector_load %arg23[%get3A_226] {strides = array<i32>} : memref<4704xf32, #tpu.memory_space<vmem>>, vector<16xf32>,
          %get3A_228 = vector.shape_cast %get3A_227 : vector<16xf32> to vector<16xf32>
          %mul3A_229 = arith.mulf %get3A_228, %add3A_223 : vector<16xf32>
          %add3A_230 = arith.addf %add3A_190, %mul3A_229 : vector<16xf32>
          %get3A_231 = arith.index_cast %mul3A_93 : i32 to index
          %get3A_232 = tpu.vector_load %arg13[%get3A_231] {strides = array<i32>} : memref<1568xf32, #tpu.memory_space<vmem>>, vector<16xf32>,
          %get3A_233 = vector.shape_cast %get3A_232 : vector<16xf32> to vector<16xf32>
          %get3A_234 = arith.index_cast %mul3A_93 : i32 to index
          %get3A_235 = tpu.vector_load %arg15[%get3A_234] {strides = array<i32>} : memref<1568xf32, #tpu.memory_space<vmem>>, vector<16xf32>,
          %get3A_236 = vector.shape_cast %get3A_235 : vector<16xf32> to vector<16xf32>
          %get3A_237 = arith.index_cast %mul3A_93 : i32 to index
          %get3A_238 = tpu.vector_load %arg17[%get3A_237] {strides = array<i32>} : memref<1568xf32, #tpu.memory_space<vmem>>, vector<16xf32>,
          %get3A_239 = vector.shape_cast %get3A_238 : vector<16xf32> to vector<16xf32>
          %mul3A_240 = arith.constant 1.000000e+01 : f32
          %mul3A_241 = vector.broadcast %mul3A_240 : f32 to vector<16xf32>
          %mul3A_242 = arith.mulf %mul3A_241, %get3A_239 : vector<16xf32>
          %mul3A_243 = arith.mulf %add3A_230, %mul3A_242 : vector<16xf32>
          %mul3A_244 = arith.mulf %get3A_233, %get3A_236 : vector<16xf32>
          %div3A = arith.divf %mul3A_243, %mul3A_244 : vector<16xf32>
          %swap3A = arith.index_cast %mul3A_93 : i32 to index
          %swap3A_245 = tpu.vector_load %arg27[%swap3A] {strides = array<i32>} : memref<1568xf32, #tpu.memory_space<vmem>>, vector<16xf32>,
          %swap3A_246 = vector.shape_cast %swap3A_245 : vector<16xf32> to vector<16xf32>
          %swap3A_247 = vector.shape_cast %div3A : vector<16xf32> to vector<16xf32>
          tpu.vector_store %arg27[%swap3A], %swap3A_247 {strides = array<i32>} : memref<1568xf32, #tpu.memory_space<vmem>>, vector<16xf32>,
          %scan3A_248 = arith.constant 0 : i32
          scf.yield %scan3A_248 : i32
        }
        %scan3A_84 = arith.constant 98 : i32
        %mul3A_85 = arith.constant 31360 : i32
        %mul3A_86 = arith.muli %add3A, %mul3A_85 : i32
        %mul3A_87 = arith.constant 1568 : i32
        %mul3A_88 = arith.muli %sub3A_77, %mul3A_87 : i32
        %add3A_89 = arith.addi %mul3A_86, %mul3A_88 : i32
        "tpu.region"() ({
          %run_scoped3A = tpu.sem_alloc : memref<!tpu.dma_semaphore, #tpu.memory_space<semaphore_mem>>
          %dma_start3A_90 = tpu.memref_slice %arg8[%add3A_89] : memref<1003520xf32, #tpu.memory_space<hbm>> -> memref<1568xf32, #tpu.memory_space<hbm>>
          %dma_start3A_91 = tpu.memref_slice %arg8[%add3A_89] : memref<1003520xf32, #tpu.memory_space<hbm>> -> memref<1568xf32, #tpu.memory_space<hbm>>
          tpu.enqueue_dma source(%arg27 : memref<1568xf32, #tpu.memory_space<vmem>>) target(%dma_start3A_91 : memref<1568xf32, #tpu.memory_space<hbm>>) target_semaphore(%run_scoped3A : memref<!tpu.dma_semaphore, #tpu.memory_space<semaphore_mem>>)
          %dma_wait3A_92 = tpu.memref_slice %arg8[%add3A_89] : memref<1003520xf32, #tpu.memory_space<hbm>> -> memref<1568xf32, #tpu.memory_space<hbm>>
          %dma_wait3A_93 = tpu.memref_slice %arg8[%add3A_89] : memref<1003520xf32, #tpu.memory_space<hbm>> -> memref<1568xf32, #tpu.memory_space<hbm>>
          tpu.wait_dma2 semaphore(%run_scoped3A : memref<!tpu.dma_semaphore, #tpu.memory_space<semaphore_mem>>) src(%arg27 : memref<1568xf32, #tpu.memory_space<vmem>>) dst(%dma_wait3A_93 : memref<1568xf32, #tpu.memory_space<hbm>>)
          tpu.yield
        }) : () -> ()
      } else {
      }
      %mul3A_46 = arith.constant 31360 : i32
      %mul3A_47 = arith.muli %add3A, %mul3A_46 : i32
      %mul3A_48 = arith.constant 1568 : i32
      %mul3A_49 = arith.muli %add3A_28, %mul3A_48 : i32
      %add3A_50 = arith.addi %mul3A_47, %mul3A_49 : i32
      "tpu.region"() ({
        %run_scoped3A = tpu.sem_alloc : memref<!tpu.dma_semaphore, #tpu.memory_space<semaphore_mem>>
        %dma_start3A_75 = tpu.memref_slice %arg2[%add3A_50] : memref<1003520xf32, #tpu.memory_space<hbm>> -> memref<1568xf32, #tpu.memory_space<hbm>>
        %dma_start3A_76 = tpu.memref_slice %arg2[%add3A_50] : memref<1003520xf32, #tpu.memory_space<hbm>> -> memref<1568xf32, #tpu.memory_space<hbm>>
        tpu.enqueue_dma source(%dma_start3A_76 : memref<1568xf32, #tpu.memory_space<hbm>>) target(%arg10 : memref<1568xf32, #tpu.memory_space<vmem>>) target_semaphore(%run_scoped3A : memref<!tpu.dma_semaphore, #tpu.memory_space<semaphore_mem>>)
        %dma_wait3A_77 = tpu.memref_slice %arg2[%add3A_50] : memref<1003520xf32, #tpu.memory_space<hbm>> -> memref<1568xf32, #tpu.memory_space<hbm>>
        %dma_wait3A_78 = tpu.memref_slice %arg2[%add3A_50] : memref<1003520xf32, #tpu.memory_space<hbm>> -> memref<1568xf32, #tpu.memory_space<hbm>>
        tpu.wait_dma2 semaphore(%run_scoped3A : memref<!tpu.dma_semaphore, #tpu.memory_space<semaphore_mem>>) src(%dma_wait3A_78 : memref<1568xf32, #tpu.memory_space<hbm>>) dst(%arg10 : memref<1568xf32, #tpu.memory_space<vmem>>)
        tpu.yield
      }) : () -> ()
      "tpu.region"() ({
        %run_scoped3A = tpu.sem_alloc : memref<!tpu.dma_semaphore, #tpu.memory_space<semaphore_mem>>
        %dma_start3A_75 = tpu.memref_slice %arg3[%add3A_50] : memref<1003520xf32, #tpu.memory_space<hbm>> -> memref<1568xf32, #tpu.memory_space<hbm>>
        %dma_start3A_76 = tpu.memref_slice %arg3[%add3A_50] : memref<1003520xf32, #tpu.memory_space<hbm>> -> memref<1568xf32, #tpu.memory_space<hbm>>
        tpu.enqueue_dma source(%dma_start3A_76 : memref<1568xf32, #tpu.memory_space<hbm>>) target(%arg11 : memref<1568xf32, #tpu.memory_space<vmem>>) target_semaphore(%run_scoped3A : memref<!tpu.dma_semaphore, #tpu.memory_space<semaphore_mem>>)
        %dma_wait3A_77 = tpu.memref_slice %arg3[%add3A_50] : memref<1003520xf32, #tpu.memory_space<hbm>> -> memref<1568xf32, #tpu.memory_space<hbm>>
        %dma_wait3A_78 = tpu.memref_slice %arg3[%add3A_50] : memref<1003520xf32, #tpu.memory_space<hbm>> -> memref<1568xf32, #tpu.memory_space<hbm>>
        tpu.wait_dma2 semaphore(%run_scoped3A : memref<!tpu.dma_semaphore, #tpu.memory_space<semaphore_mem>>) src(%dma_wait3A_78 : memref<1568xf32, #tpu.memory_space<hbm>>) dst(%arg11 : memref<1568xf32, #tpu.memory_space<vmem>>)
        tpu.yield
      }) : () -> ()
      "tpu.region"() ({
        %run_scoped3A = tpu.sem_alloc : memref<!tpu.dma_semaphore, #tpu.memory_space<semaphore_mem>>
        %dma_start3A_75 = tpu.memref_slice %arg4[%add3A_50] : memref<1003520xf32, #tpu.memory_space<hbm>> -> memref<1568xf32, #tpu.memory_space<hbm>>
        %dma_start3A_76 = tpu.memref_slice %arg4[%add3A_50] : memref<1003520xf32, #tpu.memory_space<hbm>> -> memref<1568xf32, #tpu.memory_space<hbm>>
        tpu.enqueue_dma source(%dma_start3A_76 : memref<1568xf32, #tpu.memory_space<hbm>>) target(%arg13 : memref<1568xf32, #tpu.memory_space<vmem>>) target_semaphore(%run_scoped3A : memref<!tpu.dma_semaphore, #tpu.memory_space<semaphore_mem>>)
        %dma_wait3A_77 = tpu.memref_slice %arg4[%add3A_50] : memref<1003520xf32, #tpu.memory_space<hbm>> -> memref<1568xf32, #tpu.memory_space<hbm>>
        %dma_wait3A_78 = tpu.memref_slice %arg4[%add3A_50] : memref<1003520xf32, #tpu.memory_space<hbm>> -> memref<1568xf32, #tpu.memory_space<hbm>>
        tpu.wait_dma2 semaphore(%run_scoped3A : memref<!tpu.dma_semaphore, #tpu.memory_space<semaphore_mem>>) src(%dma_wait3A_78 : memref<1568xf32, #tpu.memory_space<hbm>>) dst(%arg13 : memref<1568xf32, #tpu.memory_space<vmem>>)
        tpu.yield
      }) : () -> ()
      "tpu.region"() ({
        %run_scoped3A = tpu.sem_alloc : memref<!tpu.dma_semaphore, #tpu.memory_space<semaphore_mem>>
        %dma_start3A_75 = tpu.memref_slice %arg5[%add3A_50] : memref<1003520xf32, #tpu.memory_space<hbm>> -> memref<1568xf32, #tpu.memory_space<hbm>>
        %dma_start3A_76 = tpu.memref_slice %arg5[%add3A_50] : memref<1003520xf32, #tpu.memory_space<hbm>> -> memref<1568xf32, #tpu.memory_space<hbm>>
        tpu.enqueue_dma source(%dma_start3A_76 : memref<1568xf32, #tpu.memory_space<hbm>>) target(%arg15 : memref<1568xf32, #tpu.memory_space<vmem>>) target_semaphore(%run_scoped3A : memref<!tpu.dma_semaphore, #tpu.memory_space<semaphore_mem>>)
        %dma_wait3A_77 = tpu.memref_slice %arg5[%add3A_50] : memref<1003520xf32, #tpu.memory_space<hbm>> -> memref<1568xf32, #tpu.memory_space<hbm>>
        %dma_wait3A_78 = tpu.memref_slice %arg5[%add3A_50] : memref<1003520xf32, #tpu.memory_space<hbm>> -> memref<1568xf32, #tpu.memory_space<hbm>>
        tpu.wait_dma2 semaphore(%run_scoped3A : memref<!tpu.dma_semaphore, #tpu.memory_space<semaphore_mem>>) src(%dma_wait3A_78 : memref<1568xf32, #tpu.memory_space<hbm>>) dst(%arg15 : memref<1568xf32, #tpu.memory_space<vmem>>)
        tpu.yield
      }) : () -> ()
      "tpu.region"() ({
        %run_scoped3A = tpu.sem_alloc : memref<!tpu.dma_semaphore, #tpu.memory_space<semaphore_mem>>
        %dma_start3A_75 = tpu.memref_slice %arg6[%add3A_50] : memref<1003520xf32, #tpu.memory_space<hbm>> -> memref<1568xf32, #tpu.memory_space<hbm>>
        %dma_start3A_76 = tpu.memref_slice %arg6[%add3A_50] : memref<1003520xf32, #tpu.memory_space<hbm>> -> memref<1568xf32, #tpu.memory_space<hbm>>
        tpu.enqueue_dma source(%dma_start3A_76 : memref<1568xf32, #tpu.memory_space<hbm>>) target(%arg17 : memref<1568xf32, #tpu.memory_space<vmem>>) target_semaphore(%run_scoped3A : memref<!tpu.dma_semaphore, #tpu.memory_space<semaphore_mem>>)
        %dma_wait3A_77 = tpu.memref_slice %arg6[%add3A_50] : memref<1003520xf32, #tpu.memory_space<hbm>> -> memref<1568xf32, #tpu.memory_space<hbm>>
        %dma_wait3A_78 = tpu.memref_slice %arg6[%add3A_50] : memref<1003520xf32, #tpu.memory_space<hbm>> -> memref<1568xf32, #tpu.memory_space<hbm>>
        tpu.wait_dma2 semaphore(%run_scoped3A : memref<!tpu.dma_semaphore, #tpu.memory_space<semaphore_mem>>) src(%dma_wait3A_78 : memref<1568xf32, #tpu.memory_space<hbm>>) dst(%arg17 : memref<1568xf32, #tpu.memory_space<vmem>>)
        tpu.yield
      }) : () -> ()
      %scan3A_51 = arith.constant 0 : i32
      %scan3A_52 = arith.constant 0 : i32
      %scan3A_53 = arith.constant 98 : i32
      %scan3A_54 = arith.addi %scan3A_52, %scan3A_53 : i32
      %scan3A_55 = arith.constant 1 : i32
      %scan3A_56 = scf.for %scan3A_75 = %scan3A_52 to %scan3A_54 step %scan3A_55 iter_args(%scan3A_76 = %scan3A_51) -> (i32)  : i32 {
        %mul3A_77 = arith.constant 16 : i32
        %mul3A_78 = arith.muli %scan3A_75, %mul3A_77 : i32
        %get3A = arith.index_cast %mul3A_78 : i32 to index
        %get3A_79 = tpu.vector_load %arg10[%get3A] {strides = array<i32>} : memref<1568xf32, #tpu.memory_space<vmem>>, vector<16xf32>,
        %get3A_80 = vector.shape_cast %get3A_79 : vector<16xf32> to vector<16xf32>
        %get3A_81 = arith.index_cast %mul3A_78 : i32 to index
        %get3A_82 = tpu.vector_load %arg11[%get3A_81] {strides = array<i32>} : memref<1568xf32, #tpu.memory_space<vmem>>, vector<16xf32>,
        %get3A_83 = vector.shape_cast %get3A_82 : vector<16xf32> to vector<16xf32>
        %get3A_84 = arith.index_cast %mul3A_78 : i32 to index
        %get3A_85 = tpu.vector_load %arg13[%get3A_84] {strides = array<i32>} : memref<1568xf32, #tpu.memory_space<vmem>>, vector<16xf32>,
        %get3A_86 = vector.shape_cast %get3A_85 : vector<16xf32> to vector<16xf32>
        %get3A_87 = arith.index_cast %mul3A_78 : i32 to index
        %get3A_88 = tpu.vector_load %arg15[%get3A_87] {strides = array<i32>} : memref<1568xf32, #tpu.memory_space<vmem>>, vector<16xf32>,
        %get3A_89 = vector.shape_cast %get3A_88 : vector<16xf32> to vector<16xf32>
        %add3A_90 = arith.addf %get3A_80, %get3A_86 : vector<16xf32>
        %add3A_91 = arith.addf %get3A_83, %get3A_89 : vector<16xf32>
        %convert_element_type3A_92 = arith.fptosi %get3A_80 : vector<16xf32> to vector<16xi32>
        %convert_element_type3A_93 = arith.fptosi %get3A_83 : vector<16xf32> to vector<16xi32>
        %convert_element_type3A_94 = arith.sitofp %convert_element_type3A_92 : vector<16xi32> to vector<16xf32>
        %convert_element_type3A_95 = arith.sitofp %convert_element_type3A_93 : vector<16xi32> to vector<16xf32>
        %add3A_96 = arith.constant 1.000000e+00 : f32
        %add3A_97 = vector.broadcast %add3A_96 : f32 to vector<16xf32>
        %add3A_98 = arith.addf %convert_element_type3A_94, %add3A_97 : vector<16xf32>
        %min3A = arith.minimumf %add3A_90, %add3A_98 : vector<16xf32>
        %add3A_99 = arith.constant 0.000000e+00 : f32
        %add3A_100 = vector.broadcast %add3A_99 : f32 to vector<16xf32>
        %add3A_101 = arith.addf %convert_element_type3A_94, %add3A_100 : vector<16xf32>
        %max3A = arith.maximumf %get3A_80, %add3A_101 : vector<16xf32>
        %sub3A = arith.subf %min3A, %max3A : vector<16xf32>
        %max3A_102 = arith.constant 0.000000e+00 : f32
        %max3A_103 = vector.broadcast %max3A_102 : f32 to vector<16xf32>
        %max3A_104 = arith.maximumf %sub3A, %max3A_103 : vector<16xf32>
        %add3A_105 = arith.constant 2.000000e+00 : f32
        %add3A_106 = vector.broadcast %add3A_105 : f32 to vector<16xf32>
        %add3A_107 = arith.addf %convert_element_type3A_94, %add3A_106 : vector<16xf32>
        %min3A_108 = arith.minimumf %add3A_90, %add3A_107 : vector<16xf32>
        %add3A_109 = arith.constant 1.000000e+00 : f32
        %add3A_110 = vector.broadcast %add3A_109 : f32 to vector<16xf32>
        %add3A_111 = arith.addf %convert_element_type3A_94, %add3A_110 : vector<16xf32>
        %max3A_112 = arith.maximumf %get3A_80, %add3A_111 : vector<16xf32>
        %sub3A_113 = arith.subf %min3A_108, %max3A_112 : vector<16xf32>
        %max3A_114 = arith.constant 0.000000e+00 : f32
        %max3A_115 = vector.broadcast %max3A_114 : f32 to vector<16xf32>
        %max3A_116 = arith.maximumf %sub3A_113, %max3A_115 : vector<16xf32>
        %add3A_117 = arith.constant 3.000000e+00 : f32
        %add3A_118 = vector.broadcast %add3A_117 : f32 to vector<16xf32>
        %add3A_119 = arith.addf %convert_element_type3A_94, %add3A_118 : vector<16xf32>
        %min3A_120 = arith.minimumf %add3A_90, %add3A_119 : vector<16xf32>
        %add3A_121 = arith.constant 2.000000e+00 : f32
        %add3A_122 = vector.broadcast %add3A_121 : f32 to vector<16xf32>
        %add3A_123 = arith.addf %convert_element_type3A_94, %add3A_122 : vector<16xf32>
        %max3A_124 = arith.maximumf %get3A_80, %add3A_123 : vector<16xf32>
        %sub3A_125 = arith.subf %min3A_120, %max3A_124 : vector<16xf32>
        %max3A_126 = arith.constant 0.000000e+00 : f32
        %max3A_127 = vector.broadcast %max3A_126 : f32 to vector<16xf32>
        %max3A_128 = arith.maximumf %sub3A_125, %max3A_127 : vector<16xf32>
        %add3A_129 = arith.constant 1.000000e+00 : f32
        %add3A_130 = vector.broadcast %add3A_129 : f32 to vector<16xf32>
        %add3A_131 = arith.addf %convert_element_type3A_95, %add3A_130 : vector<16xf32>
        %min3A_132 = arith.minimumf %add3A_91, %add3A_131 : vector<16xf32>
        %add3A_133 = arith.constant 0.000000e+00 : f32
        %add3A_134 = vector.broadcast %add3A_133 : f32 to vector<16xf32>
        %add3A_135 = arith.addf %convert_element_type3A_95, %add3A_134 : vector<16xf32>
        %max3A_136 = arith.maximumf %get3A_83, %add3A_135 : vector<16xf32>
        %sub3A_137 = arith.subf %min3A_132, %max3A_136 : vector<16xf32>
        %max3A_138 = arith.constant 0.000000e+00 : f32
        %max3A_139 = vector.broadcast %max3A_138 : f32 to vector<16xf32>
        %max3A_140 = arith.maximumf %sub3A_137, %max3A_139 : vector<16xf32>
        %add3A_141 = arith.constant 2.000000e+00 : f32
        %add3A_142 = vector.broadcast %add3A_141 : f32 to vector<16xf32>
        %add3A_143 = arith.addf %convert_element_type3A_95, %add3A_142 : vector<16xf32>
        %min3A_144 = arith.minimumf %add3A_91, %add3A_143 : vector<16xf32>
        %add3A_145 = arith.constant 1.000000e+00 : f32
        %add3A_146 = vector.broadcast %add3A_145 : f32 to vector<16xf32>
        %add3A_147 = arith.addf %convert_element_type3A_95, %add3A_146 : vector<16xf32>
        %max3A_148 = arith.maximumf %get3A_83, %add3A_147 : vector<16xf32>
        %sub3A_149 = arith.subf %min3A_144, %max3A_148 : vector<16xf32>
        %max3A_150 = arith.constant 0.000000e+00 : f32
        %max3A_151 = vector.broadcast %max3A_150 : f32 to vector<16xf32>
        %max3A_152 = arith.maximumf %sub3A_149, %max3A_151 : vector<16xf32>
        %add3A_153 = arith.constant 3.000000e+00 : f32
        %add3A_154 = vector.broadcast %add3A_153 : f32 to vector<16xf32>
        %add3A_155 = arith.addf %convert_element_type3A_95, %add3A_154 : vector<16xf32>
        %min3A_156 = arith.minimumf %add3A_91, %add3A_155 : vector<16xf32>
        %add3A_157 = arith.constant 2.000000e+00 : f32
        %add3A_158 = vector.broadcast %add3A_157 : f32 to vector<16xf32>
        %add3A_159 = arith.addf %convert_element_type3A_95, %add3A_158 : vector<16xf32>
        %max3A_160 = arith.maximumf %get3A_83, %add3A_159 : vector<16xf32>
        %sub3A_161 = arith.subf %min3A_156, %max3A_160 : vector<16xf32>
        %max3A_162 = arith.constant 0.000000e+00 : f32
        %max3A_163 = vector.broadcast %max3A_162 : f32 to vector<16xf32>
        %max3A_164 = arith.maximumf %sub3A_161, %max3A_163 : vector<16xf32>
        %mul3A_165 = arith.constant 5.000000e-01 : f32
        %mul3A_166 = vector.broadcast %mul3A_165 : f32 to vector<16xf32>
        %mul3A_167 = arith.mulf %get3A_80, %mul3A_166 : vector<16xf32>
        %convert_element_type3A_168 = arith.fptosi %mul3A_167 : vector<16xf32> to vector<16xi32>
        %mul3A_169 = arith.constant 1024 : i32
        %mul3A_170 = vector.broadcast %mul3A_169 : i32 to vector<16xi32>
        %mul3A_171 = arith.muli %convert_element_type3A_168, %mul3A_170 : vector<16xi32>
        %add3A_172 = arith.addi %mul3A_171, %convert_element_type3A_93 : vector<16xi32>
        %mul3A_173 = arith.constant 2 : i32
        %mul3A_174 = vector.broadcast %mul3A_173 : i32 to vector<16xi32>
        %mul3A_175 = arith.muli %mul3A_174, %convert_element_type3A_168 : vector<16xi32>
        %sub3A_176 = arith.subi %convert_element_type3A_92, %mul3A_175 : vector<16xi32>
        %convert_element_type3A_177 = arith.sitofp %sub3A_176 : vector<16xi32> to vector<16xf32>
        %sub3A_178 = arith.constant 1.000000e+00 : f32
        %sub3A_179 = vector.broadcast %sub3A_178 : f32 to vector<16xf32>
        %sub3A_180 = arith.subf %sub3A_179, %convert_element_type3A_177 : vector<16xf32>
        %mul3A_181 = arith.mulf %sub3A_180, %max3A_104 : vector<16xf32>
        %mul3A_182 = arith.mulf %sub3A_180, %max3A_116 : vector<16xf32>
        %mul3A_183 = arith.mulf %convert_element_type3A_177, %max3A_104 : vector<16xf32>
        %add3A_184 = arith.addf %mul3A_182, %mul3A_183 : vector<16xf32>
        %mul3A_185 = arith.mulf %sub3A_180, %max3A_128 : vector<16xf32>
        %mul3A_186 = arith.mulf %convert_element_type3A_177, %max3A_116 : vector<16xf32>
        %add3A_187 = arith.addf %mul3A_185, %mul3A_186 : vector<16xf32>
        %mul3A_188 = arith.mulf %convert_element_type3A_177, %max3A_128 : vector<16xf32>
        %add3A_189 = arith.constant 0 : i32
        %add3A_190 = vector.broadcast %add3A_189 : i32 to vector<16xi32>
        %add3A_191 = arith.addi %add3A_172, %add3A_190 : vector<16xi32>
        %add3A_192 = arith.constant 0 : i32
        %add3A_193 = arith.addi %add3A_192, %mul3A_78 : i32
        %swap3A = arith.index_cast %add3A_193 : i32 to index
        %swap3A_194 = tpu.vector_load %arg19[%swap3A] {strides = array<i32>} : memref<9408xi32, #tpu.memory_space<vmem>>, vector<16xi32>,
        %swap3A_195 = vector.shape_cast %swap3A_194 : vector<16xi32> to vector<16xi32>
        %swap3A_196 = vector.shape_cast %add3A_191 : vector<16xi32> to vector<16xi32>
        tpu.vector_store %arg19[%swap3A], %swap3A_196 {strides = array<i32>} : memref<9408xi32, #tpu.memory_space<vmem>>, vector<16xi32>,
        %add3A_197 = arith.constant 1024 : i32
        %add3A_198 = vector.broadcast %add3A_197 : i32 to vector<16xi32>
        %add3A_199 = arith.addi %add3A_172, %add3A_198 : vector<16xi32>
        %add3A_200 = arith.constant 1568 : i32
        %add3A_201 = arith.addi %add3A_200, %mul3A_78 : i32
        %swap3A_202 = arith.index_cast %add3A_201 : i32 to index
        %swap3A_203 = tpu.vector_load %arg19[%swap3A_202] {strides = array<i32>} : memref<9408xi32, #tpu.memory_space<vmem>>, vector<16xi32>,
        %swap3A_204 = vector.shape_cast %swap3A_203 : vector<16xi32> to vector<16xi32>
        %swap3A_205 = vector.shape_cast %add3A_199 : vector<16xi32> to vector<16xi32>
        tpu.vector_store %arg19[%swap3A_202], %swap3A_205 {strides = array<i32>} : memref<9408xi32, #tpu.memory_space<vmem>>, vector<16xi32>,
        %add3A_206 = arith.constant 1 : i32
        %add3A_207 = vector.broadcast %add3A_206 : i32 to vector<16xi32>
        %add3A_208 = arith.addi %add3A_172, %add3A_207 : vector<16xi32>
        %add3A_209 = arith.constant 3136 : i32
        %add3A_210 = arith.addi %add3A_209, %mul3A_78 : i32
        %swap3A_211 = arith.index_cast %add3A_210 : i32 to index
        %swap3A_212 = tpu.vector_load %arg19[%swap3A_211] {strides = array<i32>} : memref<9408xi32, #tpu.memory_space<vmem>>, vector<16xi32>,
        %swap3A_213 = vector.shape_cast %swap3A_212 : vector<16xi32> to vector<16xi32>
        %swap3A_214 = vector.shape_cast %add3A_208 : vector<16xi32> to vector<16xi32>
        tpu.vector_store %arg19[%swap3A_211], %swap3A_214 {strides = array<i32>} : memref<9408xi32, #tpu.memory_space<vmem>>, vector<16xi32>,
        %add3A_215 = arith.constant 1025 : i32
        %add3A_216 = vector.broadcast %add3A_215 : i32 to vector<16xi32>
        %add3A_217 = arith.addi %add3A_172, %add3A_216 : vector<16xi32>
        %add3A_218 = arith.constant 4704 : i32
        %add3A_219 = arith.addi %add3A_218, %mul3A_78 : i32
        %swap3A_220 = arith.index_cast %add3A_219 : i32 to index
        %swap3A_221 = tpu.vector_load %arg19[%swap3A_220] {strides = array<i32>} : memref<9408xi32, #tpu.memory_space<vmem>>, vector<16xi32>,
        %swap3A_222 = vector.shape_cast %swap3A_221 : vector<16xi32> to vector<16xi32>
        %swap3A_223 = vector.shape_cast %add3A_217 : vector<16xi32> to vector<16xi32>
        tpu.vector_store %arg19[%swap3A_220], %swap3A_223 {strides = array<i32>} : memref<9408xi32, #tpu.memory_space<vmem>>, vector<16xi32>,
        %add3A_224 = arith.constant 2 : i32
        %add3A_225 = vector.broadcast %add3A_224 : i32 to vector<16xi32>
        %add3A_226 = arith.addi %add3A_172, %add3A_225 : vector<16xi32>
        %add3A_227 = arith.constant 6272 : i32
        %add3A_228 = arith.addi %add3A_227, %mul3A_78 : i32
        %swap3A_229 = arith.index_cast %add3A_228 : i32 to index
        %swap3A_230 = tpu.vector_load %arg19[%swap3A_229] {strides = array<i32>} : memref<9408xi32, #tpu.memory_space<vmem>>, vector<16xi32>,
        %swap3A_231 = vector.shape_cast %swap3A_230 : vector<16xi32> to vector<16xi32>
        %swap3A_232 = vector.shape_cast %add3A_226 : vector<16xi32> to vector<16xi32>
        tpu.vector_store %arg19[%swap3A_229], %swap3A_232 {strides = array<i32>} : memref<9408xi32, #tpu.memory_space<vmem>>, vector<16xi32>,
        %add3A_233 = arith.constant 1026 : i32
        %add3A_234 = vector.broadcast %add3A_233 : i32 to vector<16xi32>
        %add3A_235 = arith.addi %add3A_172, %add3A_234 : vector<16xi32>
        %add3A_236 = arith.constant 7840 : i32
        %add3A_237 = arith.addi %add3A_236, %mul3A_78 : i32
        %swap3A_238 = arith.index_cast %add3A_237 : i32 to index
        %swap3A_239 = tpu.vector_load %arg19[%swap3A_238] {strides = array<i32>} : memref<9408xi32, #tpu.memory_space<vmem>>, vector<16xi32>,
        %swap3A_240 = vector.shape_cast %swap3A_239 : vector<16xi32> to vector<16xi32>
        %swap3A_241 = vector.shape_cast %add3A_235 : vector<16xi32> to vector<16xi32>
        tpu.vector_store %arg19[%swap3A_238], %swap3A_241 {strides = array<i32>} : memref<9408xi32, #tpu.memory_space<vmem>>, vector<16xi32>,
        %add3A_242 = arith.constant 0 : i32
        %add3A_243 = arith.addi %add3A_242, %mul3A_78 : i32
        %swap3A_244 = arith.index_cast %add3A_243 : i32 to index
        %swap3A_245 = tpu.vector_load %arg21[%swap3A_244] {strides = array<i32>} : memref<6272xf32, #tpu.memory_space<vmem>>, vector<16xf32>,
        %swap3A_246 = vector.shape_cast %swap3A_245 : vector<16xf32> to vector<16xf32>
        %swap3A_247 = vector.shape_cast %mul3A_181 : vector<16xf32> to vector<16xf32>
        tpu.vector_store %arg21[%swap3A_244], %swap3A_247 {strides = array<i32>} : memref<6272xf32, #tpu.memory_space<vmem>>, vector<16xf32>,
        %add3A_248 = arith.constant 1568 : i32
        %add3A_249 = arith.addi %add3A_248, %mul3A_78 : i32
        %swap3A_250 = arith.index_cast %add3A_249 : i32 to index
        %swap3A_251 = tpu.vector_load %arg21[%swap3A_250] {strides = array<i32>} : memref<6272xf32, #tpu.memory_space<vmem>>, vector<16xf32>,
        %swap3A_252 = vector.shape_cast %swap3A_251 : vector<16xf32> to vector<16xf32>
        %swap3A_253 = vector.shape_cast %add3A_184 : vector<16xf32> to vector<16xf32>
        tpu.vector_store %arg21[%swap3A_250], %swap3A_253 {strides = array<i32>} : memref<6272xf32, #tpu.memory_space<vmem>>, vector<16xf32>,
        %add3A_254 = arith.constant 3136 : i32
        %add3A_255 = arith.addi %add3A_254, %mul3A_78 : i32
        %swap3A_256 = arith.index_cast %add3A_255 : i32 to index
        %swap3A_257 = tpu.vector_load %arg21[%swap3A_256] {strides = array<i32>} : memref<6272xf32, #tpu.memory_space<vmem>>, vector<16xf32>,
        %swap3A_258 = vector.shape_cast %swap3A_257 : vector<16xf32> to vector<16xf32>
        %swap3A_259 = vector.shape_cast %add3A_187 : vector<16xf32> to vector<16xf32>
        tpu.vector_store %arg21[%swap3A_256], %swap3A_259 {strides = array<i32>} : memref<6272xf32, #tpu.memory_space<vmem>>, vector<16xf32>,
        %add3A_260 = arith.constant 4704 : i32
        %add3A_261 = arith.addi %add3A_260, %mul3A_78 : i32
        %swap3A_262 = arith.index_cast %add3A_261 : i32 to index
        %swap3A_263 = tpu.vector_load %arg21[%swap3A_262] {strides = array<i32>} : memref<6272xf32, #tpu.memory_space<vmem>>, vector<16xf32>,
        %swap3A_264 = vector.shape_cast %swap3A_263 : vector<16xf32> to vector<16xf32>
        %swap3A_265 = vector.shape_cast %mul3A_188 : vector<16xf32> to vector<16xf32>
        tpu.vector_store %arg21[%swap3A_262], %swap3A_265 {strides = array<i32>} : memref<6272xf32, #tpu.memory_space<vmem>>, vector<16xf32>,
        %add3A_266 = arith.constant 0 : i32
        %add3A_267 = arith.addi %add3A_266, %mul3A_78 : i32
        %swap3A_268 = arith.index_cast %add3A_267 : i32 to index
        %swap3A_269 = tpu.vector_load %arg23[%swap3A_268] {strides = array<i32>} : memref<4704xf32, #tpu.memory_space<vmem>>, vector<16xf32>,
        %swap3A_270 = vector.shape_cast %swap3A_269 : vector<16xf32> to vector<16xf32>
        %swap3A_271 = vector.shape_cast %max3A_140 : vector<16xf32> to vector<16xf32>
        tpu.vector_store %arg23[%swap3A_268], %swap3A_271 {strides = array<i32>} : memref<4704xf32, #tpu.memory_space<vmem>>, vector<16xf32>,
        %add3A_272 = arith.constant 1568 : i32
        %add3A_273 = arith.addi %add3A_272, %mul3A_78 : i32
        %swap3A_274 = arith.index_cast %add3A_273 : i32 to index
        %swap3A_275 = tpu.vector_load %arg23[%swap3A_274] {strides = array<i32>} : memref<4704xf32, #tpu.memory_space<vmem>>, vector<16xf32>,
        %swap3A_276 = vector.shape_cast %swap3A_275 : vector<16xf32> to vector<16xf32>
        %swap3A_277 = vector.shape_cast %max3A_152 : vector<16xf32> to vector<16xf32>
        tpu.vector_store %arg23[%swap3A_274], %swap3A_277 {strides = array<i32>} : memref<4704xf32, #tpu.memory_space<vmem>>, vector<16xf32>,
        %add3A_278 = arith.constant 3136 : i32
        %add3A_279 = arith.addi %add3A_278, %mul3A_78 : i32
        %swap3A_280 = arith.index_cast %add3A_279 : i32 to index
        %swap3A_281 = tpu.vector_load %arg23[%swap3A_280] {strides = array<i32>} : memref<4704xf32, #tpu.memory_space<vmem>>, vector<16xf32>,
        %swap3A_282 = vector.shape_cast %swap3A_281 : vector<16xf32> to vector<16xf32>
        %swap3A_283 = vector.shape_cast %max3A_164 : vector<16xf32> to vector<16xf32>
        tpu.vector_store %arg23[%swap3A_280], %swap3A_283 {strides = array<i32>} : memref<4704xf32, #tpu.memory_space<vmem>>, vector<16xf32>,
        %scan3A_284 = arith.constant 0 : i32
        scf.yield %scan3A_284 : i32
      }
      %scan3A_57 = arith.constant 98 : i32
      %dma_start3A_58 = arith.constant 0 : i32
      %dma_start3A_59 = tpu.memref_slice %arg9[%dma_start3A_58] : memref<524288xi32, #tpu.memory_space<vmem_shared>> -> memref<524288xi32, #tpu.memory_space<vmem_shared>>
      tpu.enqueue_indirect_dma source(%dma_start3A_59 : memref<524288xi32, #tpu.memory_space<vmem_shared>>) target(%arg25 : memref<9408xi32, #tpu.memory_space<vmem>>) offsets(%arg19 : memref<9408xi32, #tpu.memory_space<vmem>>) semaphore(%arg29 : memref<!tpu.dma_semaphore, #tpu.memory_space<semaphore_mem>>)
      %dma_wait3A_60 = arith.constant 0 : i32
      %dma_wait3A_61 = tpu.memref_slice %arg9[%dma_wait3A_60] : memref<524288xi32, #tpu.memory_space<vmem_shared>> -> memref<524288xi32, #tpu.memory_space<vmem_shared>>
      tpu.wait_indirect_dma semaphore(%arg28 : memref<!tpu.dma_semaphore, #tpu.memory_space<semaphore_mem>>) src(%dma_wait3A_61 : memref<524288xi32, #tpu.memory_space<vmem_shared>>) dst(%arg24 : memref<9408xi32, #tpu.memory_space<vmem>>)
      %scan3A_62 = arith.constant 0 : i32
      %scan3A_63 = arith.constant 0 : i32
      %scan3A_64 = arith.constant 98 : i32
      %scan3A_65 = arith.addi %scan3A_63, %scan3A_64 : i32
      %scan3A_66 = arith.constant 1 : i32
      %scan3A_67 = scf.for %scan3A_75 = %scan3A_63 to %scan3A_65 step %scan3A_66 iter_args(%scan3A_76 = %scan3A_62) -> (i32)  : i32 {
        %mul3A_77 = arith.constant 16 : i32
        %mul3A_78 = arith.muli %scan3A_75, %mul3A_77 : i32
        %add3A_79 = arith.constant 0 : i32
        %add3A_80 = arith.addi %add3A_79, %mul3A_78 : i32
        %get3A = arith.index_cast %add3A_80 : i32 to index
        %get3A_81 = tpu.vector_load %arg20[%get3A] {strides = array<i32>} : memref<6272xf32, #tpu.memory_space<vmem>>, vector<16xf32>,
        %get3A_82 = vector.shape_cast %get3A_81 : vector<16xf32> to vector<16xf32>
        %add3A_83 = arith.constant 1568 : i32
        %add3A_84 = arith.addi %add3A_83, %mul3A_78 : i32
        %get3A_85 = arith.index_cast %add3A_84 : i32 to index
        %get3A_86 = tpu.vector_load %arg20[%get3A_85] {strides = array<i32>} : memref<6272xf32, #tpu.memory_space<vmem>>, vector<16xf32>,
        %get3A_87 = vector.shape_cast %get3A_86 : vector<16xf32> to vector<16xf32>
        %add3A_88 = arith.constant 3136 : i32
        %add3A_89 = arith.addi %add3A_88, %mul3A_78 : i32
        %get3A_90 = arith.index_cast %add3A_89 : i32 to index
        %get3A_91 = tpu.vector_load %arg20[%get3A_90] {strides = array<i32>} : memref<6272xf32, #tpu.memory_space<vmem>>, vector<16xf32>,
        %get3A_92 = vector.shape_cast %get3A_91 : vector<16xf32> to vector<16xf32>
        %add3A_93 = arith.constant 4704 : i32
        %add3A_94 = arith.addi %add3A_93, %mul3A_78 : i32
        %get3A_95 = arith.index_cast %add3A_94 : i32 to index
        %get3A_96 = tpu.vector_load %arg20[%get3A_95] {strides = array<i32>} : memref<6272xf32, #tpu.memory_space<vmem>>, vector<16xf32>,
        %get3A_97 = vector.shape_cast %get3A_96 : vector<16xf32> to vector<16xf32>
        %broadcast_in_dim3A = arith.constant 0.000000e+00 : f32
        %broadcast_in_dim3A_98 = vector.broadcast %broadcast_in_dim3A : f32 to vector<16xf32>
        %add3A_99 = arith.constant 0 : i32
        %add3A_100 = arith.addi %add3A_99, %mul3A_78 : i32
        %get3A_101 = arith.index_cast %add3A_100 : i32 to index
        %get3A_102 = tpu.vector_load %arg24[%get3A_101] {strides = array<i32>} : memref<9408xi32, #tpu.memory_space<vmem>>, vector<16xi32>,
        %get3A_103 = vector.shape_cast %get3A_102 : vector<16xi32> to vector<16xi32>
        %add3A_104 = arith.constant 1568 : i32
        %add3A_105 = arith.addi %add3A_104, %mul3A_78 : i32
        %get3A_106 = arith.index_cast %add3A_105 : i32 to index
        %get3A_107 = tpu.vector_load %arg24[%get3A_106] {strides = array<i32>} : memref<9408xi32, #tpu.memory_space<vmem>>, vector<16xi32>,
        %get3A_108 = vector.shape_cast %get3A_107 : vector<16xi32> to vector<16xi32>
        %shift_left3A = arith.constant 16 : i32
        %shift_left3A_109 = vector.broadcast %shift_left3A : i32 to vector<16xi32>
        %shift_left3A_110 = arith.shli %get3A_103, %shift_left3A_109 : vector<16xi32>
        %bitcast_convert_type3A = tpu.bitcast %shift_left3A_110 : vector<16xi32> -> vector<16xf32>
        %mul3A_111 = arith.mulf %bitcast_convert_type3A, %get3A_82 : vector<16xf32>
        %and3A = arith.constant -65536 : i32
        %and3A_112 = vector.broadcast %and3A : i32 to vector<16xi32>
        %and3A_113 = arith.andi %get3A_103, %and3A_112 : vector<16xi32>
        %bitcast_convert_type3A_114 = tpu.bitcast %and3A_113 : vector<16xi32> -> vector<16xf32>
        %mul3A_115 = arith.mulf %bitcast_convert_type3A_114, %get3A_87 : vector<16xf32>
        %add3A_116 = arith.addf %mul3A_111, %mul3A_115 : vector<16xf32>
        %shift_left3A_117 = arith.constant 16 : i32
        %shift_left3A_118 = vector.broadcast %shift_left3A_117 : i32 to vector<16xi32>
        %shift_left3A_119 = arith.shli %get3A_108, %shift_left3A_118 : vector<16xi32>
        %bitcast_convert_type3A_120 = tpu.bitcast %shift_left3A_119 : vector<16xi32> -> vector<16xf32>
        %mul3A_121 = arith.mulf %bitcast_convert_type3A_120, %get3A_92 : vector<16xf32>
        %add3A_122 = arith.addf %add3A_116, %mul3A_121 : vector<16xf32>
        %and3A_123 = arith.constant -65536 : i32
        %and3A_124 = vector.broadcast %and3A_123 : i32 to vector<16xi32>
        %and3A_125 = arith.andi %get3A_108, %and3A_124 : vector<16xi32>
        %bitcast_convert_type3A_126 = tpu.bitcast %and3A_125 : vector<16xi32> -> vector<16xf32>
        %mul3A_127 = arith.mulf %bitcast_convert_type3A_126, %get3A_97 : vector<16xf32>
        %add3A_128 = arith.addf %add3A_122, %mul3A_127 : vector<16xf32>
        %add3A_129 = arith.constant 0 : i32
        %add3A_130 = arith.addi %add3A_129, %mul3A_78 : i32
        %get3A_131 = arith.index_cast %add3A_130 : i32 to index
        %get3A_132 = tpu.vector_load %arg22[%get3A_131] {strides = array<i32>} : memref<4704xf32, #tpu.memory_space<vmem>>, vector<16xf32>,
        %get3A_133 = vector.shape_cast %get3A_132 : vector<16xf32> to vector<16xf32>
        %mul3A_134 = arith.mulf %get3A_133, %add3A_128 : vector<16xf32>
        %add3A_135 = arith.addf %broadcast_in_dim3A_98, %mul3A_134 : vector<16xf32>
        %add3A_136 = arith.constant 3136 : i32
        %add3A_137 = arith.addi %add3A_136, %mul3A_78 : i32
        %get3A_138 = arith.index_cast %add3A_137 : i32 to index
        %get3A_139 = tpu.vector_load %arg24[%get3A_138] {strides = array<i32>} : memref<9408xi32, #tpu.memory_space<vmem>>, vector<16xi32>,
        %get3A_140 = vector.shape_cast %get3A_139 : vector<16xi32> to vector<16xi32>
        %add3A_141 = arith.constant 4704 : i32
        %add3A_142 = arith.addi %add3A_141, %mul3A_78 : i32
        %get3A_143 = arith.index_cast %add3A_142 : i32 to index
        %get3A_144 = tpu.vector_load %arg24[%get3A_143] {strides = array<i32>} : memref<9408xi32, #tpu.memory_space<vmem>>, vector<16xi32>,
        %get3A_145 = vector.shape_cast %get3A_144 : vector<16xi32> to vector<16xi32>
        %shift_left3A_146 = arith.constant 16 : i32
        %shift_left3A_147 = vector.broadcast %shift_left3A_146 : i32 to vector<16xi32>
        %shift_left3A_148 = arith.shli %get3A_140, %shift_left3A_147 : vector<16xi32>
        %bitcast_convert_type3A_149 = tpu.bitcast %shift_left3A_148 : vector<16xi32> -> vector<16xf32>
        %mul3A_150 = arith.mulf %bitcast_convert_type3A_149, %get3A_82 : vector<16xf32>
        %and3A_151 = arith.constant -65536 : i32
        %and3A_152 = vector.broadcast %and3A_151 : i32 to vector<16xi32>
        %and3A_153 = arith.andi %get3A_140, %and3A_152 : vector<16xi32>
        %bitcast_convert_type3A_154 = tpu.bitcast %and3A_153 : vector<16xi32> -> vector<16xf32>
        %mul3A_155 = arith.mulf %bitcast_convert_type3A_154, %get3A_87 : vector<16xf32>
        %add3A_156 = arith.addf %mul3A_150, %mul3A_155 : vector<16xf32>
        %shift_left3A_157 = arith.constant 16 : i32
        %shift_left3A_158 = vector.broadcast %shift_left3A_157 : i32 to vector<16xi32>
        %shift_left3A_159 = arith.shli %get3A_145, %shift_left3A_158 : vector<16xi32>
        %bitcast_convert_type3A_160 = tpu.bitcast %shift_left3A_159 : vector<16xi32> -> vector<16xf32>
        %mul3A_161 = arith.mulf %bitcast_convert_type3A_160, %get3A_92 : vector<16xf32>
        %add3A_162 = arith.addf %add3A_156, %mul3A_161 : vector<16xf32>
        %and3A_163 = arith.constant -65536 : i32
        %and3A_164 = vector.broadcast %and3A_163 : i32 to vector<16xi32>
        %and3A_165 = arith.andi %get3A_145, %and3A_164 : vector<16xi32>
        %bitcast_convert_type3A_166 = tpu.bitcast %and3A_165 : vector<16xi32> -> vector<16xf32>
        %mul3A_167 = arith.mulf %bitcast_convert_type3A_166, %get3A_97 : vector<16xf32>
        %add3A_168 = arith.addf %add3A_162, %mul3A_167 : vector<16xf32>
        %add3A_169 = arith.constant 1568 : i32
        %add3A_170 = arith.addi %add3A_169, %mul3A_78 : i32
        %get3A_171 = arith.index_cast %add3A_170 : i32 to index
        %get3A_172 = tpu.vector_load %arg22[%get3A_171] {strides = array<i32>} : memref<4704xf32, #tpu.memory_space<vmem>>, vector<16xf32>,
        %get3A_173 = vector.shape_cast %get3A_172 : vector<16xf32> to vector<16xf32>
        %mul3A_174 = arith.mulf %get3A_173, %add3A_168 : vector<16xf32>
        %add3A_175 = arith.addf %add3A_135, %mul3A_174 : vector<16xf32>
        %add3A_176 = arith.constant 6272 : i32
        %add3A_177 = arith.addi %add3A_176, %mul3A_78 : i32
        %get3A_178 = arith.index_cast %add3A_177 : i32 to index
        %get3A_179 = tpu.vector_load %arg24[%get3A_178] {strides = array<i32>} : memref<9408xi32, #tpu.memory_space<vmem>>, vector<16xi32>,
        %get3A_180 = vector.shape_cast %get3A_179 : vector<16xi32> to vector<16xi32>
        %add3A_181 = arith.constant 7840 : i32
        %add3A_182 = arith.addi %add3A_181, %mul3A_78 : i32
        %get3A_183 = arith.index_cast %add3A_182 : i32 to index
        %get3A_184 = tpu.vector_load %arg24[%get3A_183] {strides = array<i32>} : memref<9408xi32, #tpu.memory_space<vmem>>, vector<16xi32>,
        %get3A_185 = vector.shape_cast %get3A_184 : vector<16xi32> to vector<16xi32>
        %shift_left3A_186 = arith.constant 16 : i32
        %shift_left3A_187 = vector.broadcast %shift_left3A_186 : i32 to vector<16xi32>
        %shift_left3A_188 = arith.shli %get3A_180, %shift_left3A_187 : vector<16xi32>
        %bitcast_convert_type3A_189 = tpu.bitcast %shift_left3A_188 : vector<16xi32> -> vector<16xf32>
        %mul3A_190 = arith.mulf %bitcast_convert_type3A_189, %get3A_82 : vector<16xf32>
        %and3A_191 = arith.constant -65536 : i32
        %and3A_192 = vector.broadcast %and3A_191 : i32 to vector<16xi32>
        %and3A_193 = arith.andi %get3A_180, %and3A_192 : vector<16xi32>
        %bitcast_convert_type3A_194 = tpu.bitcast %and3A_193 : vector<16xi32> -> vector<16xf32>
        %mul3A_195 = arith.mulf %bitcast_convert_type3A_194, %get3A_87 : vector<16xf32>
        %add3A_196 = arith.addf %mul3A_190, %mul3A_195 : vector<16xf32>
        %shift_left3A_197 = arith.constant 16 : i32
        %shift_left3A_198 = vector.broadcast %shift_left3A_197 : i32 to vector<16xi32>
        %shift_left3A_199 = arith.shli %get3A_185, %shift_left3A_198 : vector<16xi32>
        %bitcast_convert_type3A_200 = tpu.bitcast %shift_left3A_199 : vector<16xi32> -> vector<16xf32>
        %mul3A_201 = arith.mulf %bitcast_convert_type3A_200, %get3A_92 : vector<16xf32>
        %add3A_202 = arith.addf %add3A_196, %mul3A_201 : vector<16xf32>
        %and3A_203 = arith.constant -65536 : i32
        %and3A_204 = vector.broadcast %and3A_203 : i32 to vector<16xi32>
        %and3A_205 = arith.andi %get3A_185, %and3A_204 : vector<16xi32>
        %bitcast_convert_type3A_206 = tpu.bitcast %and3A_205 : vector<16xi32> -> vector<16xf32>
        %mul3A_207 = arith.mulf %bitcast_convert_type3A_206, %get3A_97 : vector<16xf32>
        %add3A_208 = arith.addf %add3A_202, %mul3A_207 : vector<16xf32>
        %add3A_209 = arith.constant 3136 : i32
        %add3A_210 = arith.addi %add3A_209, %mul3A_78 : i32
        %get3A_211 = arith.index_cast %add3A_210 : i32 to index
        %get3A_212 = tpu.vector_load %arg22[%get3A_211] {strides = array<i32>} : memref<4704xf32, #tpu.memory_space<vmem>>, vector<16xf32>,
        %get3A_213 = vector.shape_cast %get3A_212 : vector<16xf32> to vector<16xf32>
        %mul3A_214 = arith.mulf %get3A_213, %add3A_208 : vector<16xf32>
        %add3A_215 = arith.addf %add3A_175, %mul3A_214 : vector<16xf32>
        %get3A_216 = arith.index_cast %mul3A_78 : i32 to index
        %get3A_217 = tpu.vector_load %arg12[%get3A_216] {strides = array<i32>} : memref<1568xf32, #tpu.memory_space<vmem>>, vector<16xf32>,
        %get3A_218 = vector.shape_cast %get3A_217 : vector<16xf32> to vector<16xf32>
        %get3A_219 = arith.index_cast %mul3A_78 : i32 to index
        %get3A_220 = tpu.vector_load %arg14[%get3A_219] {strides = array<i32>} : memref<1568xf32, #tpu.memory_space<vmem>>, vector<16xf32>,
        %get3A_221 = vector.shape_cast %get3A_220 : vector<16xf32> to vector<16xf32>
        %get3A_222 = arith.index_cast %mul3A_78 : i32 to index
        %get3A_223 = tpu.vector_load %arg16[%get3A_222] {strides = array<i32>} : memref<1568xf32, #tpu.memory_space<vmem>>, vector<16xf32>,
        %get3A_224 = vector.shape_cast %get3A_223 : vector<16xf32> to vector<16xf32>
        %mul3A_225 = arith.constant 1.000000e+01 : f32
        %mul3A_226 = vector.broadcast %mul3A_225 : f32 to vector<16xf32>
        %mul3A_227 = arith.mulf %mul3A_226, %get3A_224 : vector<16xf32>
        %mul3A_228 = arith.mulf %add3A_215, %mul3A_227 : vector<16xf32>
        %mul3A_229 = arith.mulf %get3A_218, %get3A_221 : vector<16xf32>
        %div3A = arith.divf %mul3A_228, %mul3A_229 : vector<16xf32>
        %swap3A = arith.index_cast %mul3A_78 : i32 to index
        %swap3A_230 = tpu.vector_load %arg26[%swap3A] {strides = array<i32>} : memref<1568xf32, #tpu.memory_space<vmem>>, vector<16xf32>,
        %swap3A_231 = vector.shape_cast %swap3A_230 : vector<16xf32> to vector<16xf32>
        %swap3A_232 = vector.shape_cast %div3A : vector<16xf32> to vector<16xf32>
        tpu.vector_store %arg26[%swap3A], %swap3A_232 {strides = array<i32>} : memref<1568xf32, #tpu.memory_space<vmem>>, vector<16xf32>,
        %scan3A_233 = arith.constant 0 : i32
        scf.yield %scan3A_233 : i32
      }
      %scan3A_68 = arith.constant 98 : i32
      %mul3A_69 = arith.constant 31360 : i32
      %mul3A_70 = arith.muli %add3A, %mul3A_69 : i32
      %mul3A_71 = arith.constant 1568 : i32
      %mul3A_72 = arith.muli %mul3A_24, %mul3A_71 : i32
      %add3A_73 = arith.addi %mul3A_70, %mul3A_72 : i32
      "tpu.region"() ({
        %run_scoped3A = tpu.sem_alloc : memref<!tpu.dma_semaphore, #tpu.memory_space<semaphore_mem>>
        %dma_start3A_75 = tpu.memref_slice %arg8[%add3A_73] : memref<1003520xf32, #tpu.memory_space<hbm>> -> memref<1568xf32, #tpu.memory_space<hbm>>
        %dma_start3A_76 = tpu.memref_slice %arg8[%add3A_73] : memref<1003520xf32, #tpu.memory_space<hbm>> -> memref<1568xf32, #tpu.memory_space<hbm>>
        tpu.enqueue_dma source(%arg26 : memref<1568xf32, #tpu.memory_space<vmem>>) target(%dma_start3A_76 : memref<1568xf32, #tpu.memory_space<hbm>>) target_semaphore(%run_scoped3A : memref<!tpu.dma_semaphore, #tpu.memory_space<semaphore_mem>>)
        %dma_wait3A_77 = tpu.memref_slice %arg8[%add3A_73] : memref<1003520xf32, #tpu.memory_space<hbm>> -> memref<1568xf32, #tpu.memory_space<hbm>>
        %dma_wait3A_78 = tpu.memref_slice %arg8[%add3A_73] : memref<1003520xf32, #tpu.memory_space<hbm>> -> memref<1568xf32, #tpu.memory_space<hbm>>
        tpu.wait_dma2 semaphore(%run_scoped3A : memref<!tpu.dma_semaphore, #tpu.memory_space<semaphore_mem>>) src(%arg26 : memref<1568xf32, #tpu.memory_space<vmem>>) dst(%dma_wait3A_78 : memref<1568xf32, #tpu.memory_space<hbm>>)
        tpu.yield
      }) : () -> ()
      %scan3A_74 = arith.constant 0 : i32
      scf.yield %scan3A_74 : i32
    }
    %scan3A_8 = arith.constant 10 : i32
    %dma_wait3A = arith.constant 0 : i32
    %dma_wait3A_9 = tpu.memref_slice %arg9[%dma_wait3A] : memref<524288xi32, #tpu.memory_space<vmem_shared>> -> memref<524288xi32, #tpu.memory_space<vmem_shared>>
    tpu.wait_indirect_dma semaphore(%arg29 : memref<!tpu.dma_semaphore, #tpu.memory_space<semaphore_mem>>) src(%dma_wait3A_9 : memref<524288xi32, #tpu.memory_space<vmem_shared>>) dst(%arg25 : memref<9408xi32, #tpu.memory_space<vmem>>)
    %scan3A_10 = arith.constant 0 : i32
    %scan3A_11 = arith.constant 0 : i32
    %scan3A_12 = arith.constant 98 : i32
    %scan3A_13 = arith.addi %scan3A_11, %scan3A_12 : i32
    %scan3A_14 = arith.constant 1 : i32
    %scan3A_15 = scf.for %scan3A_21 = %scan3A_11 to %scan3A_13 step %scan3A_14 iter_args(%scan3A_22 = %scan3A_10) -> (i32)  : i32 {
      %mul3A_23 = arith.constant 16 : i32
      %mul3A_24 = arith.muli %scan3A_21, %mul3A_23 : i32
      %add3A_25 = arith.constant 0 : i32
      %add3A_26 = arith.addi %add3A_25, %mul3A_24 : i32
      %get3A = arith.index_cast %add3A_26 : i32 to index
      %get3A_27 = tpu.vector_load %arg21[%get3A] {strides = array<i32>} : memref<6272xf32, #tpu.memory_space<vmem>>, vector<16xf32>,
      %get3A_28 = vector.shape_cast %get3A_27 : vector<16xf32> to vector<16xf32>
      %add3A_29 = arith.constant 1568 : i32
      %add3A_30 = arith.addi %add3A_29, %mul3A_24 : i32
      %get3A_31 = arith.index_cast %add3A_30 : i32 to index
      %get3A_32 = tpu.vector_load %arg21[%get3A_31] {strides = array<i32>} : memref<6272xf32, #tpu.memory_space<vmem>>, vector<16xf32>,
      %get3A_33 = vector.shape_cast %get3A_32 : vector<16xf32> to vector<16xf32>
      %add3A_34 = arith.constant 3136 : i32
      %add3A_35 = arith.addi %add3A_34, %mul3A_24 : i32
      %get3A_36 = arith.index_cast %add3A_35 : i32 to index
      %get3A_37 = tpu.vector_load %arg21[%get3A_36] {strides = array<i32>} : memref<6272xf32, #tpu.memory_space<vmem>>, vector<16xf32>,
      %get3A_38 = vector.shape_cast %get3A_37 : vector<16xf32> to vector<16xf32>
      %add3A_39 = arith.constant 4704 : i32
      %add3A_40 = arith.addi %add3A_39, %mul3A_24 : i32
      %get3A_41 = arith.index_cast %add3A_40 : i32 to index
      %get3A_42 = tpu.vector_load %arg21[%get3A_41] {strides = array<i32>} : memref<6272xf32, #tpu.memory_space<vmem>>, vector<16xf32>,
      %get3A_43 = vector.shape_cast %get3A_42 : vector<16xf32> to vector<16xf32>
      %broadcast_in_dim3A = arith.constant 0.000000e+00 : f32
      %broadcast_in_dim3A_44 = vector.broadcast %broadcast_in_dim3A : f32 to vector<16xf32>
      %add3A_45 = arith.constant 0 : i32
      %add3A_46 = arith.addi %add3A_45, %mul3A_24 : i32
      %get3A_47 = arith.index_cast %add3A_46 : i32 to index
      %get3A_48 = tpu.vector_load %arg25[%get3A_47] {strides = array<i32>} : memref<9408xi32, #tpu.memory_space<vmem>>, vector<16xi32>,
      %get3A_49 = vector.shape_cast %get3A_48 : vector<16xi32> to vector<16xi32>
      %add3A_50 = arith.constant 1568 : i32
      %add3A_51 = arith.addi %add3A_50, %mul3A_24 : i32
      %get3A_52 = arith.index_cast %add3A_51 : i32 to index
      %get3A_53 = tpu.vector_load %arg25[%get3A_52] {strides = array<i32>} : memref<9408xi32, #tpu.memory_space<vmem>>, vector<16xi32>,
      %get3A_54 = vector.shape_cast %get3A_53 : vector<16xi32> to vector<16xi32>
      %shift_left3A = arith.constant 16 : i32
      %shift_left3A_55 = vector.broadcast %shift_left3A : i32 to vector<16xi32>
      %shift_left3A_56 = arith.shli %get3A_49, %shift_left3A_55 : vector<16xi32>
      %bitcast_convert_type3A = tpu.bitcast %shift_left3A_56 : vector<16xi32> -> vector<16xf32>
      %mul3A_57 = arith.mulf %bitcast_convert_type3A, %get3A_28 : vector<16xf32>
      %and3A = arith.constant -65536 : i32
      %and3A_58 = vector.broadcast %and3A : i32 to vector<16xi32>
      %and3A_59 = arith.andi %get3A_49, %and3A_58 : vector<16xi32>
      %bitcast_convert_type3A_60 = tpu.bitcast %and3A_59 : vector<16xi32> -> vector<16xf32>
      %mul3A_61 = arith.mulf %bitcast_convert_type3A_60, %get3A_33 : vector<16xf32>
      %add3A_62 = arith.addf %mul3A_57, %mul3A_61 : vector<16xf32>
      %shift_left3A_63 = arith.constant 16 : i32
      %shift_left3A_64 = vector.broadcast %shift_left3A_63 : i32 to vector<16xi32>
      %shift_left3A_65 = arith.shli %get3A_54, %shift_left3A_64 : vector<16xi32>
      %bitcast_convert_type3A_66 = tpu.bitcast %shift_left3A_65 : vector<16xi32> -> vector<16xf32>
      %mul3A_67 = arith.mulf %bitcast_convert_type3A_66, %get3A_38 : vector<16xf32>
      %add3A_68 = arith.addf %add3A_62, %mul3A_67 : vector<16xf32>
      %and3A_69 = arith.constant -65536 : i32
      %and3A_70 = vector.broadcast %and3A_69 : i32 to vector<16xi32>
      %and3A_71 = arith.andi %get3A_54, %and3A_70 : vector<16xi32>
      %bitcast_convert_type3A_72 = tpu.bitcast %and3A_71 : vector<16xi32> -> vector<16xf32>
      %mul3A_73 = arith.mulf %bitcast_convert_type3A_72, %get3A_43 : vector<16xf32>
      %add3A_74 = arith.addf %add3A_68, %mul3A_73 : vector<16xf32>
      %add3A_75 = arith.constant 0 : i32
      %add3A_76 = arith.addi %add3A_75, %mul3A_24 : i32
      %get3A_77 = arith.index_cast %add3A_76 : i32 to index
      %get3A_78 = tpu.vector_load %arg23[%get3A_77] {strides = array<i32>} : memref<4704xf32, #tpu.memory_space<vmem>>, vector<16xf32>,
      %get3A_79 = vector.shape_cast %get3A_78 : vector<16xf32> to vector<16xf32>
      %mul3A_80 = arith.mulf %get3A_79, %add3A_74 : vector<16xf32>
      %add3A_81 = arith.addf %broadcast_in_dim3A_44, %mul3A_80 : vector<16xf32>
      %add3A_82 = arith.constant 3136 : i32
      %add3A_83 = arith.addi %add3A_82, %mul3A_24 : i32
      %get3A_84 = arith.index_cast %add3A_83 : i32 to index
      %get3A_85 = tpu.vector_load %arg25[%get3A_84] {strides = array<i32>} : memref<9408xi32, #tpu.memory_space<vmem>>, vector<16xi32>,
      %get3A_86 = vector.shape_cast %get3A_85 : vector<16xi32> to vector<16xi32>
      %add3A_87 = arith.constant 4704 : i32
      %add3A_88 = arith.addi %add3A_87, %mul3A_24 : i32
      %get3A_89 = arith.index_cast %add3A_88 : i32 to index
      %get3A_90 = tpu.vector_load %arg25[%get3A_89] {strides = array<i32>} : memref<9408xi32, #tpu.memory_space<vmem>>, vector<16xi32>,
      %get3A_91 = vector.shape_cast %get3A_90 : vector<16xi32> to vector<16xi32>
      %shift_left3A_92 = arith.constant 16 : i32
      %shift_left3A_93 = vector.broadcast %shift_left3A_92 : i32 to vector<16xi32>
      %shift_left3A_94 = arith.shli %get3A_86, %shift_left3A_93 : vector<16xi32>
      %bitcast_convert_type3A_95 = tpu.bitcast %shift_left3A_94 : vector<16xi32> -> vector<16xf32>
      %mul3A_96 = arith.mulf %bitcast_convert_type3A_95, %get3A_28 : vector<16xf32>
      %and3A_97 = arith.constant -65536 : i32
      %and3A_98 = vector.broadcast %and3A_97 : i32 to vector<16xi32>
      %and3A_99 = arith.andi %get3A_86, %and3A_98 : vector<16xi32>
      %bitcast_convert_type3A_100 = tpu.bitcast %and3A_99 : vector<16xi32> -> vector<16xf32>
      %mul3A_101 = arith.mulf %bitcast_convert_type3A_100, %get3A_33 : vector<16xf32>
      %add3A_102 = arith.addf %mul3A_96, %mul3A_101 : vector<16xf32>
      %shift_left3A_103 = arith.constant 16 : i32
      %shift_left3A_104 = vector.broadcast %shift_left3A_103 : i32 to vector<16xi32>
      %shift_left3A_105 = arith.shli %get3A_91, %shift_left3A_104 : vector<16xi32>
      %bitcast_convert_type3A_106 = tpu.bitcast %shift_left3A_105 : vector<16xi32> -> vector<16xf32>
      %mul3A_107 = arith.mulf %bitcast_convert_type3A_106, %get3A_38 : vector<16xf32>
      %add3A_108 = arith.addf %add3A_102, %mul3A_107 : vector<16xf32>
      %and3A_109 = arith.constant -65536 : i32
      %and3A_110 = vector.broadcast %and3A_109 : i32 to vector<16xi32>
      %and3A_111 = arith.andi %get3A_91, %and3A_110 : vector<16xi32>
      %bitcast_convert_type3A_112 = tpu.bitcast %and3A_111 : vector<16xi32> -> vector<16xf32>
      %mul3A_113 = arith.mulf %bitcast_convert_type3A_112, %get3A_43 : vector<16xf32>
      %add3A_114 = arith.addf %add3A_108, %mul3A_113 : vector<16xf32>
      %add3A_115 = arith.constant 1568 : i32
      %add3A_116 = arith.addi %add3A_115, %mul3A_24 : i32
      %get3A_117 = arith.index_cast %add3A_116 : i32 to index
      %get3A_118 = tpu.vector_load %arg23[%get3A_117] {strides = array<i32>} : memref<4704xf32, #tpu.memory_space<vmem>>, vector<16xf32>,
      %get3A_119 = vector.shape_cast %get3A_118 : vector<16xf32> to vector<16xf32>
      %mul3A_120 = arith.mulf %get3A_119, %add3A_114 : vector<16xf32>
      %add3A_121 = arith.addf %add3A_81, %mul3A_120 : vector<16xf32>
      %add3A_122 = arith.constant 6272 : i32
      %add3A_123 = arith.addi %add3A_122, %mul3A_24 : i32
      %get3A_124 = arith.index_cast %add3A_123 : i32 to index
      %get3A_125 = tpu.vector_load %arg25[%get3A_124] {strides = array<i32>} : memref<9408xi32, #tpu.memory_space<vmem>>, vector<16xi32>,
      %get3A_126 = vector.shape_cast %get3A_125 : vector<16xi32> to vector<16xi32>
      %add3A_127 = arith.constant 7840 : i32
      %add3A_128 = arith.addi %add3A_127, %mul3A_24 : i32
      %get3A_129 = arith.index_cast %add3A_128 : i32 to index
      %get3A_130 = tpu.vector_load %arg25[%get3A_129] {strides = array<i32>} : memref<9408xi32, #tpu.memory_space<vmem>>, vector<16xi32>,
      %get3A_131 = vector.shape_cast %get3A_130 : vector<16xi32> to vector<16xi32>
      %shift_left3A_132 = arith.constant 16 : i32
      %shift_left3A_133 = vector.broadcast %shift_left3A_132 : i32 to vector<16xi32>
      %shift_left3A_134 = arith.shli %get3A_126, %shift_left3A_133 : vector<16xi32>
      %bitcast_convert_type3A_135 = tpu.bitcast %shift_left3A_134 : vector<16xi32> -> vector<16xf32>
      %mul3A_136 = arith.mulf %bitcast_convert_type3A_135, %get3A_28 : vector<16xf32>
      %and3A_137 = arith.constant -65536 : i32
      %and3A_138 = vector.broadcast %and3A_137 : i32 to vector<16xi32>
      %and3A_139 = arith.andi %get3A_126, %and3A_138 : vector<16xi32>
      %bitcast_convert_type3A_140 = tpu.bitcast %and3A_139 : vector<16xi32> -> vector<16xf32>
      %mul3A_141 = arith.mulf %bitcast_convert_type3A_140, %get3A_33 : vector<16xf32>
      %add3A_142 = arith.addf %mul3A_136, %mul3A_141 : vector<16xf32>
      %shift_left3A_143 = arith.constant 16 : i32
      %shift_left3A_144 = vector.broadcast %shift_left3A_143 : i32 to vector<16xi32>
      %shift_left3A_145 = arith.shli %get3A_131, %shift_left3A_144 : vector<16xi32>
      %bitcast_convert_type3A_146 = tpu.bitcast %shift_left3A_145 : vector<16xi32> -> vector<16xf32>
      %mul3A_147 = arith.mulf %bitcast_convert_type3A_146, %get3A_38 : vector<16xf32>
      %add3A_148 = arith.addf %add3A_142, %mul3A_147 : vector<16xf32>
      %and3A_149 = arith.constant -65536 : i32
      %and3A_150 = vector.broadcast %and3A_149 : i32 to vector<16xi32>
      %and3A_151 = arith.andi %get3A_131, %and3A_150 : vector<16xi32>
      %bitcast_convert_type3A_152 = tpu.bitcast %and3A_151 : vector<16xi32> -> vector<16xf32>
      %mul3A_153 = arith.mulf %bitcast_convert_type3A_152, %get3A_43 : vector<16xf32>
      %add3A_154 = arith.addf %add3A_148, %mul3A_153 : vector<16xf32>
      %add3A_155 = arith.constant 3136 : i32
      %add3A_156 = arith.addi %add3A_155, %mul3A_24 : i32
      %get3A_157 = arith.index_cast %add3A_156 : i32 to index
      %get3A_158 = tpu.vector_load %arg23[%get3A_157] {strides = array<i32>} : memref<4704xf32, #tpu.memory_space<vmem>>, vector<16xf32>,
      %get3A_159 = vector.shape_cast %get3A_158 : vector<16xf32> to vector<16xf32>
      %mul3A_160 = arith.mulf %get3A_159, %add3A_154 : vector<16xf32>
      %add3A_161 = arith.addf %add3A_121, %mul3A_160 : vector<16xf32>
      %get3A_162 = arith.index_cast %mul3A_24 : i32 to index
      %get3A_163 = tpu.vector_load %arg13[%get3A_162] {strides = array<i32>} : memref<1568xf32, #tpu.memory_space<vmem>>, vector<16xf32>,
      %get3A_164 = vector.shape_cast %get3A_163 : vector<16xf32> to vector<16xf32>
      %get3A_165 = arith.index_cast %mul3A_24 : i32 to index
      %get3A_166 = tpu.vector_load %arg15[%get3A_165] {strides = array<i32>} : memref<1568xf32, #tpu.memory_space<vmem>>, vector<16xf32>,
      %get3A_167 = vector.shape_cast %get3A_166 : vector<16xf32> to vector<16xf32>
      %get3A_168 = arith.index_cast %mul3A_24 : i32 to index
      %get3A_169 = tpu.vector_load %arg17[%get3A_168] {strides = array<i32>} : memref<1568xf32, #tpu.memory_space<vmem>>, vector<16xf32>,
      %get3A_170 = vector.shape_cast %get3A_169 : vector<16xf32> to vector<16xf32>
      %mul3A_171 = arith.constant 1.000000e+01 : f32
      %mul3A_172 = vector.broadcast %mul3A_171 : f32 to vector<16xf32>
      %mul3A_173 = arith.mulf %mul3A_172, %get3A_170 : vector<16xf32>
      %mul3A_174 = arith.mulf %add3A_161, %mul3A_173 : vector<16xf32>
      %mul3A_175 = arith.mulf %get3A_164, %get3A_167 : vector<16xf32>
      %div3A = arith.divf %mul3A_174, %mul3A_175 : vector<16xf32>
      %swap3A = arith.index_cast %mul3A_24 : i32 to index
      %swap3A_176 = tpu.vector_load %arg27[%swap3A] {strides = array<i32>} : memref<1568xf32, #tpu.memory_space<vmem>>, vector<16xf32>,
      %swap3A_177 = vector.shape_cast %swap3A_176 : vector<16xf32> to vector<16xf32>
      %swap3A_178 = vector.shape_cast %div3A : vector<16xf32> to vector<16xf32>
      tpu.vector_store %arg27[%swap3A], %swap3A_178 {strides = array<i32>} : memref<1568xf32, #tpu.memory_space<vmem>>, vector<16xf32>,
      %scan3A_179 = arith.constant 0 : i32
      scf.yield %scan3A_179 : i32
    }
    %scan3A_16 = arith.constant 98 : i32
    %mul3A_17 = arith.constant 31360 : i32
    %mul3A_18 = arith.muli %add3A, %mul3A_17 : i32
    %add3A_19 = arith.constant 29792 : i32
    %add3A_20 = arith.addi %mul3A_18, %add3A_19 : i32
    "tpu.region"() ({
      %run_scoped3A = tpu.sem_alloc : memref<!tpu.dma_semaphore, #tpu.memory_space<semaphore_mem>>
      %dma_start3A = tpu.memref_slice %arg8[%add3A_20] : memref<1003520xf32, #tpu.memory_space<hbm>> -> memref<1568xf32, #tpu.memory_space<hbm>>
      %dma_start3A_21 = tpu.memref_slice %arg8[%add3A_20] : memref<1003520xf32, #tpu.memory_space<hbm>> -> memref<1568xf32, #tpu.memory_space<hbm>>
      tpu.enqueue_dma source(%arg27 : memref<1568xf32, #tpu.memory_space<vmem>>) target(%dma_start3A_21 : memref<1568xf32, #tpu.memory_space<hbm>>) target_semaphore(%run_scoped3A : memref<!tpu.dma_semaphore, #tpu.memory_space<semaphore_mem>>)
      %dma_wait3A_22 = tpu.memref_slice %arg8[%add3A_20] : memref<1003520xf32, #tpu.memory_space<hbm>> -> memref<1568xf32, #tpu.memory_space<hbm>>
      %dma_wait3A_23 = tpu.memref_slice %arg8[%add3A_20] : memref<1003520xf32, #tpu.memory_space<hbm>> -> memref<1568xf32, #tpu.memory_space<hbm>>
      tpu.wait_dma2 semaphore(%run_scoped3A : memref<!tpu.dma_semaphore, #tpu.memory_space<semaphore_mem>>) src(%arg27 : memref<1568xf32, #tpu.memory_space<vmem>>) dst(%dma_wait3A_23 : memref<1568xf32, #tpu.memory_space<hbm>>)
      tpu.yield
    }) : () -> ()
    return
  }
}

</mosaic_0001>

<sc_bundles>
// kernel: _run.3.cloned.1.call-start
scs
__scs_entry_jumppad:
0x0: {  	(pc) =	sbr.rel $0x88, $3  }
0x1: {  	(tag) =	ssettag $0x0;
	lr =	simm.s32 $0x1  }
0x2: {  	[smem:$0x3F9B] =	sst lr;
	_ =	strace $0xD0000000  }
0x3: {  	_ = 	snop  }
0x4: {  	_ = 	snop  }
0x5: {  	_ = 	snop  }
0x6: {  	_ = 	snop  }
0x7: {  	_ = 	snop  }
__scs_overlays_trampoline_lowered:
0x8: {  	[smem:$0x3FAA] =	sst s0  }
0x9: {  	[smem:$0x3FAB] =	sst s1  }
0xa: {  	[smem:$0x3FAC] =	sst s2  }
0xb: {  	[smem:$0x3FAD] =	sst s3  }
0xc: {  	[smem:$0x3FAE] =	sst s4  }
0xd: {  	[smem:$0x3FAF] =	sst s5  }
0xe: {  	[smem:$0x3FB0] =	sst s6  }
0xf: {  	[smem:$0x3FB1] =	sst s7  }
0x10: {  	[smem:$0x3FB2] =	sst s8  }
0x11: {  	[smem:$0x3FB3] =	sst s9;
	s0 =	simm.s32 @!p0 $0x0  }
0x12: {  	s1 =	sld [smem:$0x3F99];
	s0 =	simm.s32 @p0 $0x1  }
0x13: {  	[smem:$0x3FB4] =	sst s0;
	s0 =	simm.s32 @!p1 $0x0  }
0x14: {  	s2 =	sld [smem:$0x3F98];
	s0 =	simm.s32 @p1 $0x1  }
0x15: {  	[smem:$0x3FB5] =	sst s0;
	s0 =	simm.s32 @!p2 $0x0  }
0x16: {  	s3 =	sld [smem:$0x3FDB];
	s0 =	simm.s32 @p2 $0x1  }
0x17: {  	s4 =	simm.s32 $0x1BF5;
	[smem:$0x3FB7] =	sst s0  }
0x18: {  	s0 =	sld [smem:$0x3F9A];
	_ =	swait.ge [sflag:s4], $0x0  }
0x19: {  	s7 =	sld [smem:$0x3F9B]  }
0x1a: {  	s8 =	sadd.s32 $0xFFFFE003, lr  }
0x1b: {  	s9 =	sadd.s32 $0xFFFFFEF7, lr;
	s5 =	simm.s32 $0xFFFFFFFF;
	p2 =	slt.u32 s8, $0xFFFFF086  }
0x1c: {  	p1 =	slt.u32 s9, $0xF7A;
	s5 =	simm.s32 @!p2 $0x0  }
0x1d: {  	s5 =	simm.s32 @p1 $0x1;
	p0 =	seq.s32 s7, s2  }
0x1e: {  	s7 =	smul.u32 @!p0 $0xF7A, s2;
	p2 =	seq.s32 @!p0 s5, $0x0  }
0x1f: {  	s9 =	smul.u32 $0xF7A, s1;
	s8 =	simm.s32 @!p0 $0x1BF5;
	p2 =	por !p2, p0  }
0x20: {  	[sflag:s8] =	ssyncset.s32 @!p0 $0xFFFFF086;
	s6 =	sadd.s32 @!p0 s3, s7;
	s7 =	simm.s32 @!p0 $0x108  }
0x21: {  	s3 =	sadd.s32 s3, s9;
	s6 =	sadd.s32 @!p0 $0x88, s6;
	s7 =	simm.s32 @p2 $0x1082  }
0x22: {  	[simem:s7], [sflag:s8] =	dma.local @!p0 [hbm:s6], $0xF7A  }
0x23: {  	s9 =	sor.u32 $0xD0000000, s2;
	s6 =	simm.s32 $0x108;
	_ =	swait.ge @!p0 [sflag:s8], $0x0  }
0x24: {  	s3 =	sadd.s32 $0x88, s3;
	s6 =	simm.s32 @!p1 $0x1082;
	[sflag:s4] =	ssyncset.s32 $0xFFFFF086  }
0x25: {  	[simem:s6], [sflag:s4] =	dma.local [hbm:s3], $0xF7A  }
0x26: {  	[smem:$0x3F9B] =	sst s1;
	(tag) =	ssettag s2;
	_ =	strace s9  }
0x27: {  	s1 =	sld [smem:$0x3FAB]  }
0x28: {  	s2 =	sld [smem:$0x3FAC]  }
0x29: {  	s4 =	sld [smem:$0x3FAE]  }
0x2a: {  	p0 =	seq.s32 s5, $0x0;
	s5 =	sld [smem:$0x3FAF]  }
0x2b: {  	s6 =	sld [smem:$0x3FB0]  }
0x2c: {  	s7 =	sld [smem:$0x3FB1]  }
0x2d: {  	s3 =	simm.s32 $0x108;
	s8 =	sld [smem:$0x3FB2]  }
0x2e: {  	s3 =	simm.s32 @!p0 $0x1082;
	s9 =	sld [smem:$0x3FB3]  }
0x2f: {  	lr =	sadd.s32 s0, s3;
	s0 =	sld [smem:$0x3FAA]  }
0x30: {  	s3 =	sld [smem:$0x3FAD]  }
0x31: {  	[smem:$0x3FB6] =	sst s10  }
0x32: {  	s10 =	sld [smem:$0x3FB4];
	_ =	sdelay $0x3  }
0x33: {  	p0 =	seq.s32 s10, $0x1;
	s10 =	sld [smem:$0x3FB6];
	_ =	sdelay $0x3  }
0x34: {  	[smem:$0x3FB6] =	sst s10  }
0x35: {  	s10 =	sld [smem:$0x3FB5];
	_ =	sdelay $0x3  }
0x36: {  	p1 =	seq.s32 s10, $0x1;
	s10 =	sld [smem:$0x3FB6];
	_ =	sdelay $0x3  }
0x37: {  	[smem:$0x3FB6] =	sst s10  }
0x38: {  	s10 =	sld [smem:$0x3FB7]  }
0x39: {  	_ = 	snop;
	(pc) =	sbr.ind lr, $3  }
0x3a: {  	_ = 	snop  }
0x3b: {  	_ = 	snop  }
0x3c: {  	p2 =	seq.s32 s10, $0x1;
	s10 =	sld [smem:$0x3FB6]  }
0x3d: {  	_ =	shalt  }
0x3e: {  	_ =	shalt  }
0x3f: {  	_ =	shalt  }
0x40: {  	_ =	shalt  }
0x41: {  	_ =	shalt  }
0x42: {  	_ =	shalt  }
0x43: {  	_ =	shalt  }
0x44: {  	_ =	shalt  }
0x45: {  	_ =	shalt  }
0x46: {  	_ =	shalt  }
0x47: {  	_ =	shalt  }
0x48: {  	_ =	shalt  }
0x49: {  	_ =	shalt  }
0x4a: {  	_ =	shalt  }
0x4b: {  	_ =	shalt  }
0x4c: {  	_ =	shalt  }
0x4d: {  	_ =	shalt  }
0x4e: {  	_ =	shalt  }
0x4f: {  	_ =	shalt  }
0x50: {  	_ =	shalt  }
0x51: {  	_ =	shalt  }
0x52: {  	_ =	shalt  }
0x53: {  	_ =	shalt  }
0x54: {  	_ =	shalt  }
0x55: {  	_ =	shalt  }
0x56: {  	_ =	shalt  }
0x57: {  	_ =	shalt  }
0x58: {  	_ =	shalt  }
0x59: {  	_ =	shalt  }
0x5a: {  	_ =	shalt  }
0x5b: {  	_ =	shalt  }
0x5c: {  	_ =	shalt  }
0x5d: {  	_ =	shalt  }
0x5e: {  	_ =	shalt  }
0x5f: {  	_ =	shalt  }
0x60: {  	_ =	shalt  }
0x61: {  	_ =	shalt  }
0x62: {  	_ =	shalt  }
0x63: {  	_ =	shalt  }
0x64: {  	_ =	shalt  }
0x65: {  	_ =	shalt  }
0x66: {  	_ =	shalt  }
0x67: {  	_ =	shalt  }
0x68: {  	_ =	shalt  }
0x69: {  	_ =	shalt  }
0x6a: {  	_ =	shalt  }
0x6b: {  	_ =	shalt  }
0x6c: {  	_ =	shalt  }
0x6d: {  	_ =	shalt  }
0x6e: {  	_ =	shalt  }
0x6f: {  	_ =	shalt  }
0x70: {  	_ =	shalt  }
0x71: {  	_ =	shalt  }
0x72: {  	_ =	shalt  }
0x73: {  	_ =	shalt  }
0x74: {  	_ =	shalt  }
0x75: {  	_ =	shalt  }
0x76: {  	_ =	shalt  }
0x77: {  	_ =	shalt  }
0x78: {  	_ =	shalt  }
0x79: {  	_ =	shalt  }
0x7a: {  	_ =	shalt  }
0x7b: {  	_ =	shalt  }
0x7c: {  	_ =	shalt  }
0x7d: {  	_ =	shalt  }
0x7e: {  	_ =	shalt  }
0x7f: {  	_ =	shalt  }
0x80: {  	_ =	shalt  }
0x81: {  	_ =	shalt  }
0x82: {  	_ =	shalt  }
0x83: {  	_ =	shalt  }
0x84: {  	_ =	shalt  }
0x85: {  	_ =	shalt  }
0x86: {  	_ =	shalt  }
0x87: {  	_ =	shalt  }
.Lfunc_end0:
.L_simem_size_0:
called_computation_lowered:
.L_overlay_start_0:
0x88: {  	s2 =	sld [smem:$0x3FD9]  }
0x89: {  	s3 =	sld [smem:$0x3FFE];
	_ =	sdelay $0x1  }
0x8a: {  	s1 =	srdreg.scid  }
0x8b: {  	s0 =	sand.u32 $0x1, s1  }
0x8c: {  	s18 =	sshll.u32 s0, $0xA;
	s2 =	sadd.s32 s3, s2  }
0x8d: {  	s2 =	sadd.s32 s2, s18  }
0x8e: {  	[smem:$0x3FC2] =	sst s2  }
0x8f: {  	_ = 	snop  }
0x90: {  	s2 =	sld [smem:$0x3FC9]  }
0x91: {  	s19 =	sld [smem:$0x3FC8]  }
0x92: {  	s4 =	sld [smem:$0x3FC7]  }
0x93: {  	s5 =	sld [smem:$0x3FC6]  }
0x94: {  	s6 =	sld [smem:$0x3FC5]  }
0x95: {  	s7 =	sld [smem:$0x3FC4]  }
0x96: {  	s8 =	sld [smem:$0x3FD0];
	(tm) =	ssettm $0x1  }
0x97: {  	s9 =	sld [smem:$0x3FFB];
	_ =	sdelay $0x3  }
0x98: {  	_ =	strace s9  }
0x99: {  	s9 =	sld [smem:$0x3FFC];
	_ =	sdelay $0x3  }
0x9a: {  	_ =	strace s9  }
0x9b: {  	s9 =	sld [smem:$0x3FFD];
	_ =	sdelay $0x3  }
0x9c: {  	_ =	strace s9  }
0x9d: {  	_ =	strace $0x8FFFFFFF  }
0x9e: {  	s20 =	sld [smem:$0x3FDB];
	_ =	sdelay $0x1  }
0x9f: {  	s10 =	simm.s32 $_scs_section_size  }
0xa0: {  	s11 =	simm.s32 $_size__tile_overlayer_lowered;
	s12 =	simm.s32 $_tile_overlayer_lowered  }
0xa1: {  	s23 =	simm.s32 $0x1BFF;
	s22 =	sshll.u32 s12, $0x1;
	s9 =	sadd.s32 s10, s20  }
0xa2: {  	s13 =	simm.s32 $0x0;
	s21 =	sshll.u32 s11, $0x1;
	s11 =	sadd.s32 s22, s9  }
0xa3: {  	[timem:s13], [sflag:s23] =	dma.local [hbm:s11], s21  }
0xa4: {  	_ =	swait.ge [sflag:s23], s21  }
0xa5: {  	s10 =	ssub.s32 $0x0, s21;
	[sflag:s23] =	ssyncset.done $0x0  }
0xa6: {  	[sflag:s23] =	ssyncadd.s32 s10;
	_ =	sdelay $0x1  }
0xa7: {  	s24 =	simm.s32 $0x1B8B  }
0xa8: {  	_ =	swait.ge [sflag:s24], $0x1  }
0xa9: {  	[sflag:s24] =	ssyncset.done $0x0  }
0xaa: {  	s25 =	simm.s32 $0x1B8E;
	[sflag:s24] =	ssyncadd.s32 $0xFFFFFFFF  }
0xab: {  	s26 =	simm.s32 $execute0_lowered;
	[smem:$0x3FD2] =	sst s25  }
0xac: {  	s10 =	sshll.u32 s26, $0x1;
	_ =	strace $0x80000046;
	[dreg:$0x1] =	wrdreg $0xFFFFFFFF  }
0xad: {  	s28 =	simm.s32 $_size_execute0_lowered;
	s9 =	sadd.s32 s9, s10;
	[dreg:$0x0] =	wrdreg $0x0  }
0xae: {  	s10 =	sshll.u32 s28, $0x1;
	[dreg:$0x2] =	wrdreg s9  }
0xaf: {  	[dreg:$0x3] =	wrdreg s10  }
0xb0: {  	[dreg:$0x4] =	wrdreg $0xC0  }
0xb1: {  	_ =	task [dreg:s13], $0x5FFFF  }
0xb2: {  	[dreg:$0x1] =	wrdreg $0xFFFFFFFF  }
0xb3: {  	[dreg:$0x0] =	wrdreg $0x60  }
0xb4: {  	[dreg:$0x2] =	wrdreg s2  }
0xb5: {  	[dreg:$0x3] =	wrdreg s19  }
0xb6: {  	[dreg:$0x4] =	wrdreg s4  }
0xb7: {  	[dreg:$0x5] =	wrdreg s5  }
0xb8: {  	[dreg:$0x6] =	wrdreg s6  }
0xb9: {  	[dreg:$0x7] =	wrdreg s7  }
0xba: {  	[dreg:$0x8] =	wrdreg s8  }
0xbb: {  	[dreg:$0x9] =	wrdreg $0x0  }
0xbc: {  	[dreg:$0xa] =	wrdreg $0x9  }
0xbd: {  	_ =	task.clear_ibuf [dreg:s13], $0xBFFFF;
	_ =	strace $0x90000046  }
0xbe: {  	s29 =	simm.s32 $0x9;
	_ =	strace $0x80000048  }
0xbf: {  	_ =	swait.ge [sflag:s29], $0x1  }
0xc0: {  	[sflag:s29] =	ssyncadd.s32 $0xFFFFFFFF  }
0xc1: {  	_ =	strace $0x90000048  }
0xc2: {  	_ =	sfence  }
0xc3: {  	s30 =	sld [smem:$0x0];
	_ =	sdelay $0x2  }
0xc4: {  	s31 =	sshll.u32 s1, $0xD;
	s1 =	sshrl.u32 s1, $0x2  }
0xc5: {  	s3 =	sand.u32 $0x4000, s31;
	s1 =	sadd.s32 s1, s30  }
0xc6: {  	s0 =	sor.u32 s3, s0;
	s1 =	sshll.u32 s1, $0x11  }
0xc7: {  	s0 =	sor.u32 s1, s0  }
0xc8: {  	s0 =	sadd.s32 $0x8F2B, s0  }
0xc9: {  	[sflag:s0] =	ssyncadd.remote.s32 $0x1  }
0xca: {  	_ =	sfence.sel $0xFFFF  }
0xcb: {  	[dreg:$0x0] =	wrdreg $0xFFFFFFFF;
	(pc) =	sbr.abs _section_cstart, $3  }
0xcc: {  	[dreg:$0x1] =	wrdreg $0xFFFFFFFF  }
0xcd: {  	_ =	task.clear_ibuf [dreg:s13], $0x2FFFF;
	_ =	strace $0x9FFFFFFF  }
0xce: {  	(tm) =	ssettm $0x7FFFFFFF  }
0xcf: {  	_ =	shalt  }
tec
execute0_lowered:
.L_overlay_start_1:
0x0: {  	(tag) =	ssettag $0x1  }
0x1: {  	s0 =	rddreg [dreg:$0x0]  }
0x2: {  	s1 =	rddreg [dreg:$0x1]  }
0x3: {  	s2 =	rddreg [dreg:$0x2]  }
0x4: {  	s3 =	rddreg [dreg:$0x3]  }
0x5: {  	s4 =	rddreg [dreg:$0x4]  }
0x6: {  	s5 =	srdreg.scid;
	s7 =	rddreg [dreg:$0x6]  }
0x7: {  	s6 =	stileid.u32;
	s8 =	rddreg [dreg:$0x7]  }
0x8: {  	s16 =	simm.s32 $0x8000;
	s17 =	simm.s32 $0x3;
	s18 =	simm.s32 $0x8680  }
0x9: {  	s22 =	simm.s32 $0x24C0;
	s26 =	simm.s32 $0xA080;
	s28 =	simm.s32 $0xAD80  }
0xa: {  	s29 =	simm.s32 $0xD900;
	s30 =	simm.s32 $0x17900;
	s31 =	simm.s32 $0x1  }
0xb: {  	s14 =	simm.s32 $0x0;
	s5 =	sand.u32 $0x1, s5;
	s9 =	sshll.u32 s6, $0x1  }
0xc: {  	p0 =	sne.s32 s6, $0x0;
	s10 =	sor.u32 s5, s9;
	s5 =	ssub.s32 $0x2, s5  }
0xd: {  	s9 =	simm.s32 $0x0;
	s10 =	smul.u32 $0x7A80, s10;
	s11 =	sshrl.u32 s5, $0x1  }
0xe: {  	s6 =	simm.s32 $0x19E00;
	[smem:$0x7FF] =	sst s9;
	s5 =	ssub.s32 s5, s11  }
0xf: {  	_ =	strace $0x80000047;
	s12 =	sshrl.u32 s10, $0x3;
	s5 =	smax.u32 s5, $0x1  }
0x10: {  	s13 =	sadd.s32 s7, s12;
	[dreg:$0xa] =	wrdreg s5;
	s5 =	sshrl.u32 @!p0 s8, $0x3  }
0x11: {  	s11 =	sadd.s32 $0xFFFFF9E0, s10;
	s13 =	sadd.s32 $0xE8C, s13;
	[dreg:$0xb] =	wrdreg s5  }
0x12: {  	s12 =	sadd.s32 $0x620, s10;
	s5 =	simm.s32 $0x2;
	[dreg:$0x9] =	wrdreg s13  }
.LBB2_1:
0x13: {  	[dreg:$0xc] =	wrdreg s14  }
0x14: {  	s14 =	rddreg [dreg:$0x5]  }
0x15: {  	s13 =	simm.s32 @!p0 $0x1C03;
	s15 =	rddreg [dreg:$0xb]  }
0x16: {  	[spmem:s15], [sflag:s13] =	dma.local @!p0 [hbm:s14], $0x10000  }
0x17: {  	s13 =	simm.s32 @!p0 $0x3  }
0x18: {  	_ =	swait.ge @!p0 [sflag:s13], $0x10000  }
0x19: {  	[sflag:s13] =	ssyncset.done @!p0 $0x0  }
0x1a: {  	[sflag:s13] =	ssyncadd.s32 @!p0 $0xFFFF0000  }
0x1b: {  	s15 =	simm.s32 $0x0;
	[bflag:$0x0] =	sbarrier.arrive $0xFFFF  }
.LBB2_2:
0x1c: {  	s13 =	smul.u32 $0xC40, s15;
	_ =	sdelay $0x1  }
0x1d: {  	s14 =	sadd.s32 s10, s13  }
0x1e: {  	s14 =	sshrl.u32 s14, $0x3  }
0x1f: {  	s19 =	simm.s32 $0x0;
	s20 =	sadd.s32 s0, s14  }
0x20: {  	[tilespmem:s16], [sflag:$0x3] =	stream.linear.gather [hbm4b:s20+s19], $0x620, $0x38;
	[tilespmem:$0x1AB00] =	vst v63  }
0x21: {  	_ =	swait.ge [sflag:s17], $0x620  }
0x22: {  	[sflag:s17] =	ssyncset.done $0x0  }
0x23: {  	s21 =	sadd.s32 s1, s14;
	[sflag:s17] =	ssyncadd.s32 $0xFFFFF9E0  }
0x24: {  	[tilespmem:s18], [sflag:$0x3] =	stream.linear.gather [hbm4b:s21+s19], $0x620, $0x38;
	[tilespmem:$0x1AB00] =	vst v63  }
0x25: {  	_ =	swait.ge [sflag:s17], $0x620  }
0x26: {  	[sflag:s17] =	ssyncset.done $0x0  }
0x27: {  	s23 =	sadd.s32 s2, s14;
	s21 =	simm.s32 $0x8D00;
	[sflag:s17] =	ssyncadd.s32 $0xFFFFF9E0  }
0x28: {  	[tilespmem:s21], [sflag:$0x3] =	stream.linear.gather [hbm4b:s23+s19], $0x620, $0x38;
	[tilespmem:$0x1AB00] =	vst v63  }
0x29: {  	_ =	swait.ge [sflag:s17], $0x620  }
0x2a: {  	[sflag:s17] =	ssyncset.done $0x0  }
0x2b: {  	s25 =	simm.s32 $0x9A00;
	s24 =	sadd.s32 s3, s14;
	[sflag:s17] =	ssyncadd.s32 $0xFFFFF9E0  }
0x2c: {  	[tilespmem:s25], [sflag:$0x3] =	stream.linear.gather [hbm4b:s24+s19], $0x620, $0x38;
	[tilespmem:$0x1AB00] =	vst v63  }
0x2d: {  	_ =	swait.ge [sflag:s17], $0x620  }
0x2e: {  	[sflag:s17] =	ssyncset.done $0x0  }
0x2f: {  	s23 =	sadd.s32 s4, s14;
	s24 =	simm.s32 $0xA700;
	[sflag:s17] =	ssyncadd.s32 $0xFFFFF9E0  }
0x30: {  	[tilespmem:s24], [sflag:$0x3] =	stream.linear.gather [hbm4b:s23+s19], $0x620, $0x38;
	[tilespmem:$0x1AB00] =	vst v63  }
0x31: {  	_ =	swait.ge [sflag:s17], $0x620  }
0x32: {  	[sflag:s17] =	ssyncset.done $0x0  }
0x33: {  	s20 =	simm.s32 $0x0;
	[sflag:s17] =	ssyncadd.s32 $0xFFFFF9E0  }
0x34: {  	v0 =	vld [tilespmem:s20+$0x8000];
	_ =	sdelay $0x1  }
0x35: {  	v1 =	vld [tilespmem:s20+$0x8680]  }
0x36: {  	v3 =	vld [tilespmem:s20+$0x8D00]  }
0x37: {  	v2 =	vld [tilespmem:s20+$0x9A00]  }
0x38: {  	v4 =	vtrunc.f32 v0;
	v5 =	vmul.f32 $5.000000000e-01, v0  }
0x39: {  	v6 =	vcvt.f32.s32 v4  }
0x3a: {  	v4 =	vtrunc.f32 v1;
	v5 =	vtrunc.f32 v5  }
0x3b: {  	v8 =	vadd.f32 v3, v0;
	v3 =	vcvt.f32.s32 v4;
	v7 =	vcvt.s32.f32 v6  }
0x3c: {  	v2 =	vadd.f32 v2, v1;
	v5 =	vcvt.f32.s32 v5  }
0x3d: {  	v14 =	vcvt.s32.f32 v3;
	v9 =	vadd.f32 $1.000000000e+00, v7;
	v10 =	vmax.f32 v0, v7  }
0x3e: {  	v4 =	vshll.u32 v5, $0xA;
	v11 =	vadd.f32 $2.000000000e+00, v7;
	v5 =	vshll.u32 v5, $0x1  }
0x3f: {  	v7 =	vadd.f32 $3.000000000e+00, v7;
	v4 =	vadd.s32 v3, v4;
	v3 =	vsub.s32 v6, v5  }
0x40: {  	v12 =	vadd.s32 $0x400, v4;
	v13 =	vadd.s32 $0x1, v4;
	v15 =	vadd.s32 $0x2, v4  }
0x41: {  	v5 =	vmin.f32 v8, v11;
	v6 =	vmax.f32 v0, v9;
	v3 =	vcvt.s32.f32 v3  }
0x42: {  	[tilespmem:s20+$0xB400] =	vst v4;
	v16 =	vmin.f32 v8, v7;
	v7 =	vadd.f32 $1.000000000e+00, v14;
	v8 =	vmin.f32 v8, v9  }
0x43: {  	v0 =	vmax.f32 v0, v11;
	v9 =	vadd.s32 $0x401, v4;
	v5 =	vsub.f32 v5, v6;
	[tilespmem:s20+$0xBA20] =	vst v12  }
0x44: {  	v12 =	vmax.f32 v1, v14;
	[tilespmem:s20+$0xC040] =	vst v13;
	v11 =	vsub.f32 v8, v10;
	v10 =	vsub.f32 v16, v0  }
0x45: {  	s25 =	sand.u32 $0x7F0, s19;
	[tilespmem:s20+$0xC660] =	vst v9;
	v9 =	vadd.f32 $3.000000000e+00, v14;
	v6 =	vsub.f32 $1.000000000e+00, v3;
	v13 =	vmax.f32 v5, $0.0e+00  }
0x46: {  	s19 =	simm.s32 $0x10;
	v63 =	vmin.f32 v2, v7;
	[tilespmem:s25+$0xCC80] =	vst v15;
	v10 =	vmax.f32 v10, $0.0e+00;
	v5 =	vmul.f32 v3, v13  }
0x47: {  	s21 =	simm.s32 $0x10;
	s23 =	simm.s32 $0x80;
	s24 =	simm.s32 $0x10;
	v0 =	vld [tilespmem:s19+$0x8000];
	v8 =	vmul.f32 v13, v6;
	v13 =	vsub.f32 v63, v12;
	v12 =	vadd.f32 $2.000000000e+00, v14  }
.LBB2_3:
0x48: {  	s25 =	sshra.s32 s23, $0x2;
	p1 =	sne.s32 s23, $0x1840;
	s23 =	sadd.s32 $0x40, s23;
	v11 =	vmax.f32 v11, $0.0e+00;
	v7 =	vmax.f32 v1, v7;
	v4 =	vadd.s32 $0x402, v4  }
0x49: {  	v14 =	vld [tilespmem:s19+$0x8680];
	v13 =	vmax.f32 v13, $0.0e+00;
	v15 =	vmin.f32 v2, v12;
	v16 =	vmul.f32 v3, v11;
	[tilespmem:s20+$0xD2A0] =	vst v4  }
0x4a: {  	v1 =	vmax.f32 v1, v12;
	v11 =	vmul.f32 v11, v6;
	v6 =	vmul.f32 v10, v6;
	v4 =	vld [tilespmem:s19+$0x9A00];
	[tilespmem:s20+$0x12F00] =	vst v13  }
0x4b: {  	v2 =	vmin.f32 v2, v9;
	v3 =	vmul.f32 v3, v10;
	v12 =	vld [tilespmem:s19+$0x8D00];
	v8 =	vadd.f32 v16, v8  }
0x4c: {  	v13 =	vsub.f32 v2, v1;
	v9 =	vtrunc.f32 v0;
	v10 =	vmul.f32 $5.000000000e-01, v0;
	[tilespmem:s20+$0xFE00] =	vst v11  }
0x4d: {  	v2 =	vsub.f32 v15, v7;
	v5 =	vadd.f32 v5, v6;
	v9 =	vcvt.f32.s32 v9;
	[tilespmem:s20+$0x11060] =	vst v3  }
0x4e: {  	v7 =	vmax.f32 v13, $0.0e+00;
	v3 =	vtrunc.f32 v14;
	v6 =	vtrunc.f32 v10;
	[tilespmem:s20+$0x10420] =	vst v8;
	v1 =	vmovc v14  }
0x4f: {  	v10 =	vmax.f32 v2, $0.0e+00;
	v8 =	vcvt.s32.f32 v9;
	v6 =	vcvt.f32.s32 v6;
	[tilespmem:s20+$0x13B40] =	vst v7  }
0x50: {  	v2 =	vadd.f32 v4, v1;
	v3 =	vcvt.f32.s32 v3;
	v11 =	vadd.f32 v12, v0;
	[tilespmem:s20+$0x13520] =	vst v10  }
0x51: {  	v10 =	vadd.f32 $1.000000000e+00, v8;
	v12 =	vmax.f32 v0, v8;
	v4 =	vshll.u32 v6, $0xA;
	[tilespmem:s20+$0x10A40] =	vst v5;
	s20 =	smov.u32 s19;
	s19 =	smov.u32 s25  }
0x52: {  	v5 =	vadd.f32 $2.000000000e+00, v8;
	v7 =	vadd.f32 $3.000000000e+00, v8;
	v4 =	vadd.s32 v3, v4  }
0x53: {  	v6 =	vshll.u32 v6, $0x1;
	[tilespmem:s20+$0xB400] =	vst v4;
	v8 =	vadd.s32 $0x400, v4;
	v13 =	vadd.s32 $0x1, v4  }
0x54: {  	v14 =	vcvt.s32.f32 v3;
	v3 =	vsub.s32 v9, v6;
	v15 =	vadd.s32 $0x2, v4;
	[tilespmem:s20+$0xBA20] =	vst v8  }
0x55: {  	s24 =	sadd.s32 $0x10, s24;
	v6 =	vmin.f32 v11, v5;
	v3 =	vcvt.s32.f32 v3;
	v8 =	vmax.f32 v0, v10;
	[tilespmem:s20+$0xC040] =	vst v13  }
0x56: {  	v6 =	vsub.f32 v6, v8;
	v8 =	vmin.f32 v11, v7;
	v7 =	vadd.f32 $1.000000000e+00, v14  }
.Ltmp0:
0x57: {  	v9 =	vmin.f32 v11, v10;
	v0 =	vmax.f32 v0, v5;
	v13 =	vmax.f32 v1, v14;
	(pc) =	sbr.rel @p1 .LBB2_3-.Ltmp0, $4  }
0x58: {  	s25 =	sand.u32 $0x7F0, s21;
	s21 =	smov.u32 s24;
	v16 =	vadd.s32 $0x401, v4;
	v10 =	vmax.f32 v6, $0.0e+00;
	v6 =	vsub.f32 $1.000000000e+00, v3  }
0x59: {  	v11 =	vsub.f32 v9, v12;
	v12 =	vsub.f32 v8, v0;
	v5 =	vmul.f32 v3, v10;
	[tilespmem:s20+$0xC660] =	vst v16  }
0x5a: {  	v9 =	vadd.f32 $3.000000000e+00, v14;
	v16 =	vmin.f32 v2, v7;
	v8 =	vmul.f32 v10, v6;
	[tilespmem:s25+$0xCC80] =	vst v15  }
0x5b: {  	v10 =	vmax.f32 v12, $0.0e+00;
	v12 =	vadd.f32 $2.000000000e+00, v14;
	v13 =	vsub.f32 v16, v13;
	v0 =	vld [tilespmem:s19+$0x8000]  }
0x5c: {  	v4 =	vadd.s32 $0x402, v4;
	v11 =	vmax.f32 v11, $0.0e+00  }
0x5d: {  	v14 =	vld [tilespmem:s19+$0x8680];
	v23 =	vmax.f32 v1, v7;
	v27 =	vmul.f32 v10, v6;
	v28 =	vmin.f32 v2, v9  }
0x5e: {  	v29 =	vmul.f32 v3, v10;
	[tilespmem:s20+$0xD2A0] =	vst v4;
	v24 =	vmax.f32 v13, $0.0e+00;
	v25 =	vmin.f32 v2, v12  }
0x5f: {  	v16 =	vmul.f32 v3, v11;
	v26 =	vmax.f32 v1, v12;
	v11 =	vmul.f32 v11, v6;
	v15 =	vld [tilespmem:s19+$0x9A00];
	[tilespmem:s20+$0x12F00] =	vst v24  }
0x60: {  	v1 =	vsub.f32 v28, v26;
	v7 =	vld [tilespmem:s19+$0x8D00];
	v30 =	vtrunc.f32 v0;
	v31 =	vmul.f32 $5.000000000e-01, v0  }
0x61: {  	v4 =	vsub.f32 v25, v23;
	v5 =	vadd.f32 v5, v27;
	v32 =	vcvt.f32.s32 v30  }
0x62: {  	v8 =	vadd.f32 v16, v8;
	v33 =	vtrunc.f32 v14;
	v34 =	vtrunc.f32 v31  }
0x63: {  	v1 =	vmax.f32 v1, $0.0e+00;
	v35 =	vcvt.s32.f32 v32;
	v9 =	vcvt.f32.s32 v34  }
0x64: {  	v4 =	vmax.f32 v4, $0.0e+00;
	v6 =	vcvt.f32.s32 v33;
	v36 =	vadd.f32 v15, v14  }
0x65: {  	v7 =	vadd.f32 v7, v0;
	v37 =	vadd.f32 $1.000000000e+00, v35;
	v38 =	vshll.u32 v9, $0xA  }
0x66: {  	[tilespmem:s20+$0xFE00] =	vst v11;
	v39 =	vmax.f32 v0, v35;
	v40 =	vadd.f32 $2.000000000e+00, v35;
	v41 =	vadd.f32 $3.000000000e+00, v35  }
0x67: {  	[tilespmem:s20+$0x11060] =	vst v29;
	v9 =	vshll.u32 v9, $0x1;
	v15 =	vadd.s32 v6, v38;
	v6 =	vcvt.s32.f32 v6  }
0x68: {  	[tilespmem:s20+$0x10A40] =	vst v5;
	v2 =	vsub.s32 v32, v9;
	v42 =	vadd.s32 $0x400, v15;
	v43 =	vadd.s32 $0x1, v15  }
0x69: {  	[tilespmem:s20+$0x10420] =	vst v8;
	v44 =	vadd.s32 $0x2, v15;
	v45 =	vmin.f32 v7, v40;
	v17 =	vmax.f32 v0, v37  }
0x6a: {  	[tilespmem:s20+$0x13B40] =	vst v1;
	v2 =	vcvt.s32.f32 v2;
	v3 =	vmin.f32 v7, v41;
	v7 =	vmin.f32 v7, v37  }
0x6b: {  	[tilespmem:s20+$0x13520] =	vst v4;
	v48 =	vmax.f32 v0, v40;
	v51 =	vadd.s32 $0x401, v15;
	v46 =	vsub.f32 v45, v17  }
0x6c: {  	[tilespmem:s19+$0xB400] =	vst v15;
	v56 =	vadd.s32 $0x402, v15;
	v47 =	vadd.f32 $1.000000000e+00, v6;
	v7 =	vsub.f32 v7, v39  }
0x6d: {  	v49 =	vmax.f32 v14, v6;
	[tilespmem:s19+$0xBA20] =	vst v42;
	v0 =	vsub.f32 v3, v48;
	v53 =	vadd.f32 $3.000000000e+00, v6  }
0x6e: {  	[tilespmem:s19+$0xC040] =	vst v43;
	v6 =	vadd.f32 $2.000000000e+00, v6;
	v50 =	vsub.f32 $1.000000000e+00, v2;
	v4 =	vmax.f32 v46, $0.0e+00  }
0x6f: {  	s23 =	sand.u32 $0x7F0, s21;
	[tilespmem:s19+$0xC660] =	vst v51;
	v52 =	vmin.f32 v36, v47;
	v0 =	vmax.f32 v0, $0.0e+00;
	v55 =	vmax.f32 v7, $0.0e+00  }
0x70: {  	[tilespmem:s23+$0xCC80] =	vst v44;
	v5 =	vmax.f32 v14, v47;
	v58 =	vmax.f32 v14, v6;
	v1 =	vmul.f32 v55, v50  }
0x71: {  	[tilespmem:s19+$0xD2A0] =	vst v56;
	v6 =	vmin.f32 v36, v6;
	v3 =	vsub.f32 v52, v49;
	v60 =	vmul.f32 v2, v0  }
0x72: {  	v54 =	vmul.f32 v4, v50;
	v57 =	vmul.f32 v2, v55;
	v62 =	vsub.f32 v6, v5;
	[tilespmem:s19+$0xFE00] =	vst v1  }
0x73: {  	v61 =	vmul.f32 v2, v4;
	v0 =	vmul.f32 v0, v50;
	v3 =	vmax.f32 v3, $0.0e+00;
	[tilespmem:s19+$0x11060] =	vst v60  }
0x74: {  	p1 =	seq.s32 s15, $0x0;
	v59 =	vmin.f32 v36, v53;
	v9 =	vadd.f32 v57, v54;
	v63 =	vmax.f32 v62, $0.0e+00;
	[tilespmem:s19+$0x12F00] =	vst v3  }
.Ltmp1:
0x75: {  	v0 =	vadd.f32 v61, v0;
	v3 =	vsub.f32 v59, v58;
	[tilespmem:s19+$0x13520] =	vst v63;
	(pc) =	sbr.rel @p1 .LBB2_8-.Ltmp1, $4  }
0x76: {  	[tilespmem:s19+$0x10420] =	vst v9  }
0x77: {  	[tilespmem:s19+$0x10A40] =	vst v0;
	v3 =	vmax.f32 v3, $0.0e+00  }
0x78: {  	s24 =	simm.s32 $0xB400;
	s25 =	simm.s32 $0x15400;
	[tilespmem:s19+$0x13B40] =	vst v3  }
0x79: {  	[tilespmem:s25], [sflag:$0x1] =	stream.indirect.gather [spmem:s8], $0x1, s24, s22, $0xb8;
	[tilespmem:$0x1AB00] =	vst v63  }
0x7a: {  	_ =	swait.ge [sflag:s5], $0x24C0  }
0x7b: {  	[sflag:s5] =	ssyncset.done $0x0  }
0x7c: {  	s19 =	simm.s32 $0x0;
	[sflag:s5] =	ssyncadd.s32 $0xFFFFDB40  }
0x7d: {  	v0 =	vld [tilespmem:s19+$0x9380]  }
0x7e: {  	v1 =	vld [tilespmem:s19+$0xA080]  }
0x7f: {  	v2 =	vld [tilespmem:s19+$0x197A0]  }
0x80: {  	v4 =	vld [tilespmem:s19+$0x18B60]  }
0x81: {  	v5 =	vld [tilespmem:s19+$0x17F20]  }
0x82: {  	v6 =	vld [tilespmem:s19+$0x18540]  }
0x83: {  	v7 =	vld [tilespmem:s19+$0x11680]  }
0x84: {  	v8 =	vld [tilespmem:s19+$0x17900]  }
0x85: {  	v9 =	vld [tilespmem:s19+$0x11CA0]  }
0x86: {  	s20 =	simm.s32 $0x0;
	v3 =	vld [tilespmem:s19+$0x128E0]  }
0x87: {  	s21 =	sand.u32 $0x7F0, s20;
	v10 =	vld [tilespmem:s19+$0x122C0];
	v11 =	vand.u32 $0xFFFF0000, v4  }
0x88: {  	v14 =	vld [tilespmem:s21+$0x19180];
	v12 =	vand.u32 $0xFFFF0000, v2;
	v0 =	vmul.f32 v1, v0;
	v1 =	vand.u32 $0xFFFF0000, v5  }
0x89: {  	v13 =	vshll.u32 v6, $0x10;
	v15 =	vshll.u32 v8, $0x10;
	v8 =	vand.u32 $0xFFFF0000, v8  }
0x8a: {  	v4 =	vshll.u32 v4, $0x10;
	v15 =	vmul.f32 v15, v7;
	v8 =	vmul.f32 v8, v9  }
0x8b: {  	v6 =	vand.u32 $0xFFFF0000, v6;
	v5 =	vshll.u32 v5, $0x10;
	v13 =	vmul.f32 v13, v7  }
0x8c: {  	v6 =	vmul.f32 v6, v9;
	v5 =	vmul.f32 v5, v10;
	v8 =	vadd.f32 v8, v15  }
0x8d: {  	v62 =	vld [tilespmem:s19+$0x14180];
	v63 =	vshll.u32 v14, $0x10;
	v14 =	vand.u32 $0xFFFF0000, v14;
	v1 =	vmul.f32 v1, v3  }
0x8e: {  	v4 =	vmul.f32 v4, v10;
	v6 =	vadd.f32 v6, v13;
	v5 =	vadd.f32 v5, v8  }
0x8f: {  	v2 =	vshll.u32 v2, $0x10;
	v7 =	vmul.f32 v63, v7;
	v8 =	vmul.f32 v14, v9  }
0x90: {  	v4 =	vadd.f32 v4, v6;
	v6 =	vmul.f32 v11, v3;
	v9 =	vld [tilespmem:s19+$0x147A0];
	v1 =	vadd.f32 v5, v1  }
0x91: {  	v2 =	vmul.f32 v2, v10;
	v5 =	vadd.f32 v8, v7;
	v7 =	vld [tilespmem:s19+$0x14DC0]  }
0x92: {  	(erf) = vrcp.f32 v0;
	v0 =	vmul.f32 v1, v62;
	v1 =	vadd.f32 v4, v6;
	v6 =	vld [tilespmem:s19+$0xAD80]  }
0x93: {  	s21 =	simm.s32 $0x10;
	v3 =	vmul.f32 v12, v3;
	v2 =	vadd.f32 v2, v5  }
0x94: {  	v4 =	vld [tilespmem:s21+$0x9380]  }
0x95: {  	v5 =	vld [tilespmem:s21+$0xA080];
	v8 =	vadd.f32 $0.0e+00, v0;
	v9 =	vmul.f32 v1, v9;
	v2 =	vadd.f32 v2, v3  }
0x96: {  	v1 =	vld [tilespmem:s21+$0x197A0]  }
0x97: {  	v0 =	vld [tilespmem:s21+$0x128E0];
	v8 =	vadd.f32 v9, v8;
	v2 =	vmul.f32 v2, v7;
	v9 =	vmul.f32 $1.000000000e+01, v6  }
0x98: {  	v3 =	vld [tilespmem:s21+$0x17F20]  }
0x99: {  	v7 =	vld [tilespmem:s21+$0x18B60];
	v8 =	vadd.f32 v2, v8  }
0x9a: {  	v6 =	vld [tilespmem:s21+$0x18540]  }
0x9b: {  	s23 =	simm.s32 $0x80;
	v2 =	vld [tilespmem:s21+$0x11680];
	v8 =	vmul.f32 v8, v9;
	v9 =	vpop (erf)  }
.LBB2_6:
0x9c: {  	p1 =	sne.s32 s23, $0x1840;
	v10 =	vld [tilespmem:s21+$0x17900]  }
0x9d: {  	v11 =	vld [tilespmem:s21+$0x11CA0];
	v8 =	vmul.f32 v8, v9  }
0x9e: {  	s20 =	sadd.s32 $0x10, s20  }
0x9f: {  	v13 =	vand.u32 $0xFFFF0000, v1;
	v4 =	vmul.f32 v5, v4;
	v12 =	vand.u32 $0xFFFF0000, v7;
	s24 =	sand.u32 $0x7F0, s20;
	v9 =	vld [tilespmem:s21+$0x122C0];
	[tilespmem:s19+$0x1A480] =	vst v8;
	s19 =	smov.u32 s21  }
0xa0: {  	v7 =	vshll.u32 v7, $0x10;
	v5 =	vand.u32 $0xFFFF0000, v3;
	v8 =	vshll.u32 v6, $0x10;
	v14 =	vld [tilespmem:s24+$0x19180]  }
0xa1: {  	v5 =	vmul.f32 v5, v0;
	v15 =	vshll.u32 v10, $0x10;
	v10 =	vand.u32 $0xFFFF0000, v10  }
0xa2: {  	v6 =	vand.u32 $0xFFFF0000, v6;
	v15 =	vmul.f32 v15, v2;
	v10 =	vmul.f32 v10, v11  }
0xa3: {  	v3 =	vshll.u32 v3, $0x10;
	v8 =	vmul.f32 v8, v2;
	v6 =	vmul.f32 v6, v11  }
0xa4: {  	v10 =	vadd.f32 v10, v15;
	v3 =	vmul.f32 v3, v9;
	v7 =	vmul.f32 v7, v9  }
0xa5: {  	v6 =	vadd.f32 v6, v8;
	v15 =	vld [tilespmem:s19+$0x14180];
	v8 =	vshll.u32 v14, $0x10;
	v14 =	vand.u32 $0xFFFF0000, v14  }
0xa6: {  	v3 =	vadd.f32 v3, v10;
	v2 =	vmul.f32 v8, v2;
	v8 =	vmul.f32 v14, v11  }
0xa7: {  	v1 =	vshll.u32 v1, $0x10;
	v6 =	vadd.f32 v7, v6;
	v7 =	vmul.f32 v12, v0;
	v10 =	vld [tilespmem:s19+$0x147A0]  }
0xa8: {  	v1 =	vmul.f32 v1, v9;
	v3 =	vadd.f32 v3, v5;
	v2 =	vadd.f32 v8, v2  }
0xa9: {  	v0 =	vmul.f32 v13, v0;
	v8 =	vld [tilespmem:s19+$0x14DC0];
	(erf) = vrcp.f32 v4  }
0xaa: {  	s21 =	sshra.s32 s23, $0x2;
	v6 =	vadd.f32 v6, v7;
	v3 =	vmul.f32 v3, v15;
	v1 =	vadd.f32 v1, v2;
	v2 =	vld [tilespmem:s19+$0xAD80]  }
0xab: {  	v4 =	vld [tilespmem:s21+$0x9380]  }
0xac: {  	v5 =	vld [tilespmem:s21+$0xA080];
	v3 =	vadd.f32 $0.0e+00, v3;
	v6 =	vmul.f32 v6, v10;
	v7 =	vadd.f32 v1, v0  }
0xad: {  	v1 =	vld [tilespmem:s21+$0x197A0]  }
.Ltmp2:
0xae: {  	v0 =	vld [tilespmem:s21+$0x128E0];
	v6 =	vadd.f32 v6, v3;
	v8 =	vmul.f32 v7, v8;
	(pc) =	sbr.rel @p1 .LBB2_6-.Ltmp2, $4  }
0xaf: {  	v7 =	vld [tilespmem:s21+$0x18B60]  }
0xb0: {  	v10 =	vmul.f32 $1.000000000e+01, v2;
	v3 =	vld [tilespmem:s21+$0x17F20];
	v8 =	vadd.f32 v8, v6  }
0xb1: {  	v6 =	vld [tilespmem:s21+$0x18540]  }
0xb2: {  	s23 =	sadd.s32 $0x40, s23;
	v2 =	vld [tilespmem:s21+$0x11680];
	v8 =	vmul.f32 v8, v10;
	v9 =	vpop (erf)  }
0xb3: {  	v10 =	vld [tilespmem:s21+$0x17900]  }
0xb4: {  	v11 =	vld [tilespmem:s21+$0x11CA0];
	v8 =	vmul.f32 v8, v9  }
0xb5: {  	s20 =	sadd.s32 $0x10, s20  }
0xb6: {  	v44 =	vld [tilespmem:s21+$0x122C0];
	v13 =	vand.u32 $0xFFFF0000, v1;
	v4 =	vmul.f32 v5, v4;
	v12 =	vand.u32 $0xFFFF0000, v7;
	s20 =	sand.u32 $0x7F0, s20;
	[tilespmem:s19+$0x1A480] =	vst v8  }
0xb7: {  	v47 =	vshll.u32 v7, $0x10;
	v45 =	vand.u32 $0xFFFF0000, v3;
	v46 =	vshll.u32 v6, $0x10;
	v14 =	vld [tilespmem:s20+$0x19180]  }
0xb8: {  	v5 =	vmul.f32 v45, v0;
	v15 =	vshll.u32 v10, $0x10;
	v10 =	vand.u32 $0xFFFF0000, v10  }
0xb9: {  	v48 =	vand.u32 $0xFFFF0000, v6;
	v15 =	vmul.f32 v15, v2;
	v10 =	vmul.f32 v10, v11  }
0xba: {  	v49 =	vshll.u32 v3, $0x10;
	v8 =	vmul.f32 v46, v2;
	v6 =	vmul.f32 v48, v11  }
0xbb: {  	v3 =	vmul.f32 v49, v44;
	v7 =	vmul.f32 v47, v44;
	v10 =	vadd.f32 v10, v15  }
0xbc: {  	v50 =	vld [tilespmem:s21+$0x14180];
	v6 =	vadd.f32 v6, v8;
	v51 =	vshll.u32 v14, $0x10;
	v14 =	vand.u32 $0xFFFF0000, v14  }
0xbd: {  	v3 =	vadd.f32 v3, v10;
	v52 =	vmul.f32 v51, v2;
	v53 =	vmul.f32 v14, v11  }
0xbe: {  	v56 =	vshll.u32 v1, $0x10;
	v54 =	vmul.f32 v12, v0;
	v55 =	vld [tilespmem:s21+$0x147A0];
	v6 =	vadd.f32 v7, v6  }
0xbf: {  	v1 =	vmul.f32 v56, v44;
	v3 =	vadd.f32 v3, v5;
	v2 =	vadd.f32 v53, v52  }
0xc0: {  	v57 =	vmul.f32 v13, v0;
	(erf) = vrcp.f32 v4;
	v58 =	vld [tilespmem:s21+$0x14DC0]  }
0xc1: {  	v59 =	vadd.f32 v6, v54;
	v3 =	vmul.f32 v3, v50;
	v1 =	vadd.f32 v1, v2  }
0xc2: {  	v60 =	vld [tilespmem:s21+$0xAD80]  }
0xc3: {  	v4 =	vmul.f32 v59, v55;
	v3 =	vadd.f32 $0.0e+00, v3;
	v0 =	vadd.f32 v1, v57;
	_ =	sdelay $0x1  }
0xc4: {  	v61 =	vadd.f32 v4, v3;
	v0 =	vmul.f32 v0, v58;
	_ =	sdelay $0x1  }
0xc5: {  	v62 =	vmul.f32 $1.000000000e+01, v60;
	v0 =	vadd.f32 v0, v61;
	_ =	sdelay $0x1  }
0xc6: {  	v0 =	vmul.f32 v0, v62  }
0xc7: {  	v63 =	vpop (erf)  }
0xc8: {  	s24 =	sadd.s32 s11, s13;
	v0 =	vmul.f32 v0, v63  }
0xc9: {  	s19 =	sshrl.u32 s24, $0x3  }
0xca: {  	s25 =	simm.s32 $0x1A480;
	s19 =	sadd.s32 s7, s19;
	[tilespmem:s21+$0x1A480] =	vst v0  }
0xcb: {  	[hbm4b:s19+s9] =	stream.linear.scatter [tilespmem:s25], [sflag:$0x3], $0x620, $0x38;
	[tilespmem:$0x1AB00] =	vst v63  }
0xcc: {  	_ =	swait.ge [sflag:s17], $0x620  }
0xcd: {  	[sflag:s17] =	ssyncset.done $0x0  }
0xce: {  	[sflag:s17] =	ssyncadd.s32 $0xFFFFF9E0  }
.LBB2_8:
0xcf: {  	s13 =	sadd.s32 s12, s13  }
0xd0: {  	s19 =	sshrl.u32 s13, $0x3  }
0xd1: {  	s25 =	simm.s32 $0x0;
	s20 =	sadd.s32 s0, s19  }
0xd2: {  	[tilespmem:s16], [sflag:$0x3] =	stream.linear.gather [hbm4b:s20+s25], $0x620, $0x38;
	[tilespmem:$0x1AB00] =	vst v63  }
0xd3: {  	_ =	swait.ge [sflag:s17], $0x620  }
0xd4: {  	[sflag:s17] =	ssyncset.done $0x0  }
0xd5: {  	s21 =	sadd.s32 s1, s19;
	[sflag:s17] =	ssyncadd.s32 $0xFFFFF9E0  }
0xd6: {  	[tilespmem:s18], [sflag:$0x3] =	stream.linear.gather [hbm4b:s21+s25], $0x620, $0x38;
	[tilespmem:$0x1AB00] =	vst v63  }
0xd7: {  	_ =	swait.ge [sflag:s17], $0x620  }
0xd8: {  	[sflag:s17] =	ssyncset.done $0x0  }
0xd9: {  	s23 =	sadd.s32 s2, s19;
	s21 =	simm.s32 $0x9380;
	[sflag:s17] =	ssyncadd.s32 $0xFFFFF9E0  }
0xda: {  	[tilespmem:s21], [sflag:$0x3] =	stream.linear.gather [hbm4b:s23+s25], $0x620, $0x38;
	[tilespmem:$0x1AB00] =	vst v63  }
0xdb: {  	_ =	swait.ge [sflag:s17], $0x620  }
0xdc: {  	[sflag:s17] =	ssyncset.done $0x0  }
0xdd: {  	s24 =	sadd.s32 s3, s19;
	[sflag:s17] =	ssyncadd.s32 $0xFFFFF9E0  }
0xde: {  	[tilespmem:s26], [sflag:$0x3] =	stream.linear.gather [hbm4b:s24+s25], $0x620, $0x38;
	[tilespmem:$0x1AB00] =	vst v63  }
0xdf: {  	_ =	swait.ge [sflag:s17], $0x620  }
0xe0: {  	[sflag:s17] =	ssyncset.done $0x0  }
0xe1: {  	s19 =	sadd.s32 s4, s19;
	[sflag:s17] =	ssyncadd.s32 $0xFFFFF9E0  }
0xe2: {  	[tilespmem:s28], [sflag:$0x3] =	stream.linear.gather [hbm4b:s19+s25], $0x620, $0x38;
	[tilespmem:$0x1AB00] =	vst v63  }
0xe3: {  	_ =	swait.ge [sflag:s17], $0x620  }
0xe4: {  	[sflag:s17] =	ssyncset.done $0x0  }
0xe5: {  	s19 =	simm.s32 $0x0;
	[sflag:s17] =	ssyncadd.s32 $0xFFFFF9E0  }
0xe6: {  	v0 =	vld [tilespmem:s19+$0x8000];
	_ =	sdelay $0x1  }
0xe7: {  	v1 =	vld [tilespmem:s19+$0x8680]  }
0xe8: {  	v3 =	vld [tilespmem:s19+$0x9380]  }
0xe9: {  	v2 =	vld [tilespmem:s19+$0xA080]  }
0xea: {  	v4 =	vtrunc.f32 v0;
	v5 =	vmul.f32 $5.000000000e-01, v0  }
0xeb: {  	v6 =	vcvt.f32.s32 v4  }
0xec: {  	v4 =	vtrunc.f32 v1;
	v5 =	vtrunc.f32 v5  }
0xed: {  	v8 =	vadd.f32 v3, v0;
	v3 =	vcvt.f32.s32 v4;
	v7 =	vcvt.s32.f32 v6  }
0xee: {  	v2 =	vadd.f32 v2, v1;
	v5 =	vcvt.f32.s32 v5  }
0xef: {  	v14 =	vcvt.s32.f32 v3;
	v9 =	vadd.f32 $1.000000000e+00, v7;
	v10 =	vmax.f32 v0, v7  }
0xf0: {  	v4 =	vshll.u32 v5, $0xA;
	v11 =	vadd.f32 $2.000000000e+00, v7;
	v5 =	vshll.u32 v5, $0x1  }
0xf1: {  	v7 =	vadd.f32 $3.000000000e+00, v7;
	v4 =	vadd.s32 v3, v4;
	v3 =	vsub.s32 v6, v5  }
0xf2: {  	v12 =	vadd.s32 $0x400, v4;
	v13 =	vadd.s32 $0x1, v4;
	v15 =	vadd.s32 $0x2, v4  }
0xf3: {  	v5 =	vmin.f32 v8, v11;
	v6 =	vmax.f32 v0, v9;
	v3 =	vcvt.s32.f32 v3  }
0xf4: {  	[tilespmem:s19+$0xD900] =	vst v4;
	v16 =	vmin.f32 v8, v7;
	v7 =	vadd.f32 $1.000000000e+00, v14;
	v8 =	vmin.f32 v8, v9  }
0xf5: {  	v0 =	vmax.f32 v0, v11;
	v9 =	vadd.s32 $0x401, v4;
	v5 =	vsub.f32 v5, v6;
	[tilespmem:s19+$0xDF20] =	vst v12  }
0xf6: {  	v12 =	vmax.f32 v1, v14;
	[tilespmem:s19+$0xE540] =	vst v13;
	v11 =	vsub.f32 v8, v10;
	v10 =	vsub.f32 v16, v0  }
0xf7: {  	s25 =	sand.u32 $0x7F0, s25;
	[tilespmem:s19+$0xEB60] =	vst v9;
	v9 =	vadd.f32 $3.000000000e+00, v14;
	v6 =	vsub.f32 $1.000000000e+00, v3;
	v13 =	vmax.f32 v5, $0.0e+00  }
0xf8: {  	s13 =	simm.s32 $0x10;
	v63 =	vmin.f32 v2, v7;
	[tilespmem:s25+$0xF180] =	vst v15;
	v10 =	vmax.f32 v10, $0.0e+00;
	v5 =	vmul.f32 v3, v13  }
0xf9: {  	s20 =	simm.s32 $0x10;
	s21 =	simm.s32 $0x80;
	s23 =	simm.s32 $0x10;
	v0 =	vld [tilespmem:s13+$0x8000];
	v8 =	vmul.f32 v13, v6;
	v13 =	vsub.f32 v63, v12;
	v12 =	vadd.f32 $2.000000000e+00, v14  }
.LBB2_9:
0xfa: {  	s24 =	sshra.s32 s21, $0x2;
	p1 =	sne.s32 s21, $0x1840;
	s21 =	sadd.s32 $0x40, s21;
	v11 =	vmax.f32 v11, $0.0e+00;
	v7 =	vmax.f32 v1, v7;
	v4 =	vadd.s32 $0x402, v4  }
0xfb: {  	v14 =	vld [tilespmem:s13+$0x8680];
	v13 =	vmax.f32 v13, $0.0e+00;
	v15 =	vmin.f32 v2, v12;
	v16 =	vmul.f32 v3, v11;
	[tilespmem:s19+$0xF7A0] =	vst v4  }
0xfc: {  	v1 =	vmax.f32 v1, v12;
	v11 =	vmul.f32 v11, v6;
	v6 =	vmul.f32 v10, v6;
	v4 =	vld [tilespmem:s13+$0xA080];
	[tilespmem:s19+$0x14180] =	vst v13  }
0xfd: {  	v2 =	vmin.f32 v2, v9;
	v3 =	vmul.f32 v3, v10;
	v12 =	vld [tilespmem:s13+$0x9380];
	v8 =	vadd.f32 v16, v8  }
0xfe: {  	v13 =	vsub.f32 v2, v1;
	v9 =	vtrunc.f32 v0;
	v10 =	vmul.f32 $5.000000000e-01, v0;
	[tilespmem:s19+$0x11680] =	vst v11  }
0xff: {  	v2 =	vsub.f32 v15, v7;
	v5 =	vadd.f32 v5, v6;
	v9 =	vcvt.f32.s32 v9;
	[tilespmem:s19+$0x128E0] =	vst v3  }
0x100: {  	v7 =	vmax.f32 v13, $0.0e+00;
	v3 =	vtrunc.f32 v14;
	v6 =	vtrunc.f32 v10;
	[tilespmem:s19+$0x11CA0] =	vst v8;
	v1 =	vmovc v14  }
0x101: {  	v10 =	vmax.f32 v2, $0.0e+00;
	v8 =	vcvt.s32.f32 v9;
	v6 =	vcvt.f32.s32 v6;
	[tilespmem:s19+$0x14DC0] =	vst v7  }
0x102: {  	v2 =	vadd.f32 v4, v1;
	v3 =	vcvt.f32.s32 v3;
	v11 =	vadd.f32 v12, v0;
	[tilespmem:s19+$0x147A0] =	vst v10  }
0x103: {  	v10 =	vadd.f32 $1.000000000e+00, v8;
	v12 =	vmax.f32 v0, v8;
	v4 =	vshll.u32 v6, $0xA;
	[tilespmem:s19+$0x122C0] =	vst v5;
	s19 =	smov.u32 s13;
	s13 =	smov.u32 s24  }
0x104: {  	v5 =	vadd.f32 $2.000000000e+00, v8;
	v7 =	vadd.f32 $3.000000000e+00, v8;
	v4 =	vadd.s32 v3, v4  }
0x105: {  	v6 =	vshll.u32 v6, $0x1;
	[tilespmem:s19+$0xD900] =	vst v4;
	v8 =	vadd.s32 $0x400, v4;
	v13 =	vadd.s32 $0x1, v4  }
0x106: {  	v14 =	vcvt.s32.f32 v3;
	v3 =	vsub.s32 v9, v6;
	v15 =	vadd.s32 $0x2, v4;
	[tilespmem:s19+$0xDF20] =	vst v8  }
0x107: {  	s23 =	sadd.s32 $0x10, s23;
	v6 =	vmin.f32 v11, v5;
	v3 =	vcvt.s32.f32 v3;
	v8 =	vmax.f32 v0, v10;
	[tilespmem:s19+$0xE540] =	vst v13  }
0x108: {  	v6 =	vsub.f32 v6, v8;
	v8 =	vmin.f32 v11, v7;
	v7 =	vadd.f32 $1.000000000e+00, v14  }
.Ltmp3:
0x109: {  	v9 =	vmin.f32 v11, v10;
	v0 =	vmax.f32 v0, v5;
	v13 =	vmax.f32 v1, v14;
	(pc) =	sbr.rel @p1 .LBB2_9-.Ltmp3, $4  }
0x10a: {  	s24 =	sand.u32 $0x7F0, s20;
	s20 =	smov.u32 s23;
	v16 =	vadd.s32 $0x401, v4;
	v10 =	vmax.f32 v6, $0.0e+00;
	v6 =	vsub.f32 $1.000000000e+00, v3  }
0x10b: {  	v11 =	vsub.f32 v9, v12;
	v12 =	vsub.f32 v8, v0;
	v5 =	vmul.f32 v3, v10;
	[tilespmem:s19+$0xEB60] =	vst v16  }
0x10c: {  	v9 =	vadd.f32 $3.000000000e+00, v14;
	v16 =	vmin.f32 v2, v7;
	v8 =	vmul.f32 v10, v6;
	[tilespmem:s24+$0xF180] =	vst v15  }
0x10d: {  	v10 =	vmax.f32 v12, $0.0e+00;
	v12 =	vadd.f32 $2.000000000e+00, v14;
	v13 =	vsub.f32 v16, v13;
	v0 =	vld [tilespmem:s13+$0x8000]  }
0x10e: {  	v4 =	vadd.s32 $0x402, v4  }
0x10f: {  	v14 =	vld [tilespmem:s13+$0x8680];
	v11 =	vmax.f32 v11, $0.0e+00;
	[tilespmem:s19+$0xF7A0] =	vst v4;
	v4 =	vmax.f32 v1, v7;
	v7 =	vmax.f32 v13, $0.0e+00  }
0x110: {  	v52 =	vmin.f32 v2, v12;
	v16 =	vmul.f32 v3, v11;
	v1 =	vmax.f32 v1, v12  }
0x111: {  	v11 =	vmul.f32 v11, v6;
	v6 =	vmul.f32 v10, v6;
	v2 =	vmin.f32 v2, v9;
	v15 =	vld [tilespmem:s13+$0xA080];
	[tilespmem:s19+$0x14180] =	vst v7  }
0x112: {  	v3 =	vmul.f32 v3, v10;
	v1 =	vsub.f32 v2, v1;
	v7 =	vld [tilespmem:s13+$0x9380];
	v9 =	vtrunc.f32 v0  }
0x113: {  	v4 =	vsub.f32 v52, v4;
	v10 =	vmul.f32 $5.000000000e-01, v0;
	v2 =	vcvt.f32.s32 v9  }
0x114: {  	v8 =	vadd.f32 v16, v8;
	v5 =	vadd.f32 v5, v6;
	v1 =	vmax.f32 v1, $0.0e+00  }
0x115: {  	v4 =	vmax.f32 v4, $0.0e+00;
	v9 =	vtrunc.f32 v10;
	v10 =	vcvt.s32.f32 v2  }
0x116: {  	v6 =	vtrunc.f32 v14;
	v9 =	vcvt.f32.s32 v9;
	v53 =	vadd.f32 v15, v14  }
0x117: {  	[tilespmem:s19+$0x11680] =	vst v11;
	v6 =	vcvt.f32.s32 v6;
	v7 =	vadd.f32 v7, v0;
	v54 =	vadd.f32 $1.000000000e+00, v10  }
0x118: {  	[tilespmem:s19+$0x128E0] =	vst v3;
	v55 =	vshll.u32 v9, $0xA;
	v11 =	vmax.f32 v0, v10;
	v56 =	vadd.f32 $2.000000000e+00, v10  }
0x119: {  	[tilespmem:s19+$0x11CA0] =	vst v8;
	v3 =	vadd.f32 $3.000000000e+00, v10;
	v9 =	vshll.u32 v9, $0x1;
	v15 =	vadd.s32 v6, v55  }
0x11a: {  	[tilespmem:s19+$0x14DC0] =	vst v1;
	v6 =	vcvt.s32.f32 v6;
	v2 =	vsub.s32 v2, v9;
	v10 =	vadd.s32 $0x400, v15  }
0x11b: {  	[tilespmem:s19+$0x147A0] =	vst v4;
	v8 =	vadd.s32 $0x1, v15;
	v1 =	vadd.s32 $0x2, v15;
	v9 =	vmin.f32 v7, v56  }
0x11c: {  	[tilespmem:s19+$0x122C0] =	vst v5;
	v17 =	vmax.f32 v0, v54;
	v2 =	vcvt.s32.f32 v2;
	v3 =	vmin.f32 v7, v3  }
0x11d: {  	v7 =	vmin.f32 v7, v54;
	v0 =	vmax.f32 v0, v56;
	[tilespmem:s13+$0xD900] =	vst v15;
	v4 =	vsub.f32 v9, v17  }
0x11e: {  	v5 =	vadd.f32 $1.000000000e+00, v6;
	v9 =	vmax.f32 v14, v6;
	[tilespmem:s13+$0xDF20] =	vst v10;
	v7 =	vsub.f32 v7, v11  }
0x11f: {  	v10 =	vadd.s32 $0x401, v15;
	v0 =	vsub.f32 v3, v0;
	[tilespmem:s13+$0xE540] =	vst v8;
	v8 =	vadd.f32 $3.000000000e+00, v6  }
0x120: {  	s24 =	sand.u32 $0x7F0, s20;
	v6 =	vadd.f32 $2.000000000e+00, v6;
	v57 =	vsub.f32 $1.000000000e+00, v2;
	[tilespmem:s13+$0xEB60] =	vst v10;
	v4 =	vmax.f32 v4, $0.0e+00  }
0x121: {  	v3 =	vmin.f32 v53, v5;
	[tilespmem:s24+$0xF180] =	vst v1;
	v1 =	vmax.f32 v7, $0.0e+00;
	v7 =	vadd.s32 $0x402, v15  }
0x122: {  	v3 =	vsub.f32 v3, v9;
	v9 =	vmul.f32 v2, v1;
	v1 =	vmul.f32 v1, v57  }
0x123: {  	v0 =	vmax.f32 v0, $0.0e+00;
	v5 =	vmax.f32 v14, v5;
	v11 =	vmul.f32 v4, v57;
	[tilespmem:s13+$0xF7A0] =	vst v7  }
0x124: {  	v7 =	vmax.f32 v14, v6;
	v6 =	vmin.f32 v53, v6;
	v3 =	vmax.f32 v3, $0.0e+00;
	[tilespmem:s13+$0x11680] =	vst v1  }
0x125: {  	v9 =	vadd.f32 v9, v11;
	v1 =	vmul.f32 v2, v4;
	[tilespmem:s13+$0x14180] =	vst v3;
	v3 =	vmin.f32 v53, v8  }
0x126: {  	v8 =	vmul.f32 v2, v0;
	v0 =	vmul.f32 v0, v57;
	v2 =	vsub.f32 v6, v5  }
0x127: {  	v3 =	vsub.f32 v3, v7;
	[tilespmem:s13+$0x11CA0] =	vst v9  }
0x128: {  	[tilespmem:s13+$0x128E0] =	vst v8;
	v0 =	vadd.f32 v1, v0;
	v1 =	vmax.f32 v2, $0.0e+00  }
0x129: {  	v3 =	vmax.f32 v3, $0.0e+00;
	[tilespmem:s13+$0x147A0] =	vst v1  }
0x12a: {  	[tilespmem:s13+$0x14DC0] =	vst v3  }
0x12b: {  	[tilespmem:s13+$0x122C0] =	vst v0  }
0x12c: {  	[tilespmem:s30], [sflag:$0x2] =	stream.indirect.gather [spmem:s8], $0x1, s29, s22, $0xb8;
	[tilespmem:$0x1AB00] =	vst v63  }
0x12d: {  	_ =	swait.ge [sflag:s31], $0x24C0  }
0x12e: {  	[sflag:s31] =	ssyncset.done $0x0  }
0x12f: {  	s13 =	simm.s32 $0x0;
	[sflag:s31] =	ssyncadd.s32 $0xFFFFDB40  }
0x130: {  	v0 =	vld [tilespmem:s13+$0x8D00]  }
0x131: {  	v1 =	vld [tilespmem:s13+$0x9A00]  }
0x132: {  	v2 =	vld [tilespmem:s13+$0x172A0]  }
0x133: {  	v4 =	vld [tilespmem:s13+$0x16660]  }
0x134: {  	v5 =	vld [tilespmem:s13+$0x15A20]  }
0x135: {  	v6 =	vld [tilespmem:s13+$0x16040]  }
0x136: {  	v7 =	vld [tilespmem:s13+$0xFE00]  }
0x137: {  	v8 =	vld [tilespmem:s13+$0x15400]  }
0x138: {  	v9 =	vld [tilespmem:s13+$0x10420]  }
0x139: {  	s19 =	simm.s32 $0x0;
	v3 =	vld [tilespmem:s13+$0x11060]  }
0x13a: {  	s25 =	sand.u32 $0x7F0, s19;
	v10 =	vld [tilespmem:s13+$0x10A40];
	v11 =	vand.u32 $0xFFFF0000, v4  }
0x13b: {  	v60 =	vld [tilespmem:s25+$0x16C80];
	v58 =	vand.u32 $0xFFFF0000, v2;
	v0 =	vmul.f32 v1, v0;
	v1 =	vand.u32 $0xFFFF0000, v5  }
0x13c: {  	v59 =	vshll.u32 v6, $0x10;
	v61 =	vshll.u32 v8, $0x10;
	v8 =	vand.u32 $0xFFFF0000, v8  }
0x13d: {  	v4 =	vshll.u32 v4, $0x10;
	v15 =	vmul.f32 v61, v7;
	v8 =	vmul.f32 v8, v9  }
0x13e: {  	v6 =	vand.u32 $0xFFFF0000, v6;
	v5 =	vshll.u32 v5, $0x10;
	v13 =	vmul.f32 v59, v7  }
0x13f: {  	v6 =	vmul.f32 v6, v9;
	v5 =	vmul.f32 v5, v10;
	v8 =	vadd.f32 v8, v15  }
0x140: {  	v62 =	vld [tilespmem:s13+$0x12F00];
	v63 =	vshll.u32 v60, $0x10;
	v14 =	vand.u32 $0xFFFF0000, v60;
	v1 =	vmul.f32 v1, v3  }
0x141: {  	v4 =	vmul.f32 v4, v10;
	v6 =	vadd.f32 v6, v13;
	v5 =	vadd.f32 v5, v8  }
0x142: {  	v2 =	vshll.u32 v2, $0x10;
	v7 =	vmul.f32 v63, v7;
	v8 =	vmul.f32 v14, v9  }
0x143: {  	v4 =	vadd.f32 v4, v6;
	v6 =	vmul.f32 v11, v3;
	v9 =	vld [tilespmem:s13+$0x13520];
	v1 =	vadd.f32 v5, v1  }
0x144: {  	v2 =	vmul.f32 v2, v10;
	v5 =	vadd.f32 v8, v7;
	v7 =	vld [tilespmem:s13+$0x13B40]  }
0x145: {  	(erf) = vrcp.f32 v0;
	v0 =	vmul.f32 v1, v62;
	v1 =	vadd.f32 v4, v6;
	v6 =	vld [tilespmem:s13+$0xA700]  }
0x146: {  	s20 =	simm.s32 $0x10;
	v3 =	vmul.f32 v58, v3;
	v2 =	vadd.f32 v2, v5  }
0x147: {  	v4 =	vld [tilespmem:s20+$0x8D00]  }
0x148: {  	v5 =	vld [tilespmem:s20+$0x9A00];
	v8 =	vadd.f32 $0.0e+00, v0;
	v9 =	vmul.f32 v1, v9;
	v2 =	vadd.f32 v2, v3  }
0x149: {  	v1 =	vld [tilespmem:s20+$0x172A0]  }
0x14a: {  	v0 =	vld [tilespmem:s20+$0x11060];
	v8 =	vadd.f32 v9, v8;
	v2 =	vmul.f32 v2, v7;
	v9 =	vmul.f32 $1.000000000e+01, v6  }
0x14b: {  	v3 =	vld [tilespmem:s20+$0x15A20]  }
0x14c: {  	v7 =	vld [tilespmem:s20+$0x16660];
	v8 =	vadd.f32 v2, v8  }
0x14d: {  	v6 =	vld [tilespmem:s20+$0x16040]  }
0x14e: {  	s21 =	simm.s32 $0x80;
	v2 =	vld [tilespmem:s20+$0xFE00];
	v8 =	vmul.f32 v8, v9;
	v9 =	vpop (erf)  }
.LBB2_11:
0x14f: {  	p1 =	sne.s32 s21, $0x1840;
	v10 =	vld [tilespmem:s20+$0x15400]  }
0x150: {  	v11 =	vld [tilespmem:s20+$0x10420];
	v8 =	vmul.f32 v8, v9  }
0x151: {  	s19 =	sadd.s32 $0x10, s19  }
0x152: {  	v13 =	vand.u32 $0xFFFF0000, v1;
	v4 =	vmul.f32 v5, v4;
	v12 =	vand.u32 $0xFFFF0000, v7;
	s23 =	sand.u32 $0x7F0, s19;
	v9 =	vld [tilespmem:s20+$0x10A40];
	[tilespmem:s13+$0x19E00] =	vst v8;
	s13 =	smov.u32 s20  }
0x153: {  	v7 =	vshll.u32 v7, $0x10;
	v5 =	vand.u32 $0xFFFF0000, v3;
	v8 =	vshll.u32 v6, $0x10;
	v14 =	vld [tilespmem:s23+$0x16C80]  }
0x154: {  	v5 =	vmul.f32 v5, v0;
	v15 =	vshll.u32 v10, $0x10;
	v10 =	vand.u32 $0xFFFF0000, v10  }
0x155: {  	v6 =	vand.u32 $0xFFFF0000, v6;
	v15 =	vmul.f32 v15, v2;
	v10 =	vmul.f32 v10, v11  }
0x156: {  	v3 =	vshll.u32 v3, $0x10;
	v8 =	vmul.f32 v8, v2;
	v6 =	vmul.f32 v6, v11  }
0x157: {  	v10 =	vadd.f32 v10, v15;
	v3 =	vmul.f32 v3, v9;
	v7 =	vmul.f32 v7, v9  }
0x158: {  	v6 =	vadd.f32 v6, v8;
	v15 =	vld [tilespmem:s13+$0x12F00];
	v8 =	vshll.u32 v14, $0x10;
	v14 =	vand.u32 $0xFFFF0000, v14  }
0x159: {  	v3 =	vadd.f32 v3, v10;
	v2 =	vmul.f32 v8, v2;
	v8 =	vmul.f32 v14, v11  }
0x15a: {  	v1 =	vshll.u32 v1, $0x10;
	v6 =	vadd.f32 v7, v6;
	v7 =	vmul.f32 v12, v0;
	v10 =	vld [tilespmem:s13+$0x13520]  }
0x15b: {  	v1 =	vmul.f32 v1, v9;
	v3 =	vadd.f32 v3, v5;
	v2 =	vadd.f32 v8, v2  }
0x15c: {  	v0 =	vmul.f32 v13, v0;
	v8 =	vld [tilespmem:s13+$0x13B40];
	(erf) = vrcp.f32 v4  }
0x15d: {  	s20 =	sshra.s32 s21, $0x2;
	v6 =	vadd.f32 v6, v7;
	v3 =	vmul.f32 v3, v15;
	v1 =	vadd.f32 v1, v2;
	v2 =	vld [tilespmem:s13+$0xA700]  }
0x15e: {  	v4 =	vld [tilespmem:s20+$0x8D00]  }
0x15f: {  	v5 =	vld [tilespmem:s20+$0x9A00];
	v3 =	vadd.f32 $0.0e+00, v3;
	v6 =	vmul.f32 v6, v10;
	v7 =	vadd.f32 v1, v0  }
0x160: {  	v1 =	vld [tilespmem:s20+$0x172A0]  }
.Ltmp4:
0x161: {  	v0 =	vld [tilespmem:s20+$0x11060];
	v6 =	vadd.f32 v6, v3;
	v8 =	vmul.f32 v7, v8;
	(pc) =	sbr.rel @p1 .LBB2_11-.Ltmp4, $4  }
0x162: {  	v7 =	vld [tilespmem:s20+$0x16660]  }
0x163: {  	v10 =	vmul.f32 $1.000000000e+01, v2;
	v3 =	vld [tilespmem:s20+$0x15A20];
	v8 =	vadd.f32 v8, v6  }
0x164: {  	v6 =	vld [tilespmem:s20+$0x16040]  }
0x165: {  	s21 =	sadd.s32 $0x40, s21;
	v2 =	vld [tilespmem:s20+$0xFE00];
	v8 =	vmul.f32 v8, v10;
	v9 =	vpop (erf)  }
0x166: {  	v10 =	vld [tilespmem:s20+$0x15400]  }
0x167: {  	v11 =	vld [tilespmem:s20+$0x10420];
	v8 =	vmul.f32 v8, v9  }
0x168: {  	s19 =	sadd.s32 $0x10, s19  }
0x169: {  	v44 =	vld [tilespmem:s20+$0x10A40];
	v13 =	vand.u32 $0xFFFF0000, v1;
	v4 =	vmul.f32 v5, v4;
	v12 =	vand.u32 $0xFFFF0000, v7;
	s19 =	sand.u32 $0x7F0, s19;
	[tilespmem:s13+$0x19E00] =	vst v8  }
0x16a: {  	v47 =	vshll.u32 v7, $0x10;
	v45 =	vand.u32 $0xFFFF0000, v3;
	v46 =	vshll.u32 v6, $0x10;
	v14 =	vld [tilespmem:s19+$0x16C80]  }
0x16b: {  	v5 =	vmul.f32 v45, v0;
	v15 =	vshll.u32 v10, $0x10;
	v10 =	vand.u32 $0xFFFF0000, v10  }
0x16c: {  	v48 =	vand.u32 $0xFFFF0000, v6;
	v15 =	vmul.f32 v15, v2;
	v10 =	vmul.f32 v10, v11  }
0x16d: {  	v49 =	vshll.u32 v3, $0x10;
	v8 =	vmul.f32 v46, v2;
	v6 =	vmul.f32 v48, v11  }
0x16e: {  	v3 =	vmul.f32 v49, v44;
	v7 =	vmul.f32 v47, v44;
	v10 =	vadd.f32 v10, v15  }
0x16f: {  	v50 =	vld [tilespmem:s20+$0x12F00];
	v6 =	vadd.f32 v6, v8;
	v51 =	vshll.u32 v14, $0x10;
	v14 =	vand.u32 $0xFFFF0000, v14  }
0x170: {  	v3 =	vadd.f32 v3, v10;
	v52 =	vmul.f32 v51, v2;
	v53 =	vmul.f32 v14, v11  }
0x171: {  	v56 =	vshll.u32 v1, $0x10;
	v54 =	vmul.f32 v12, v0;
	v55 =	vld [tilespmem:s20+$0x13520];
	v6 =	vadd.f32 v7, v6  }
0x172: {  	v1 =	vmul.f32 v56, v44;
	v3 =	vadd.f32 v3, v5;
	v2 =	vadd.f32 v53, v52  }
0x173: {  	v57 =	vmul.f32 v13, v0;
	(erf) = vrcp.f32 v4;
	v58 =	vld [tilespmem:s20+$0x13B40]  }
0x174: {  	v59 =	vadd.f32 v6, v54;
	v3 =	vmul.f32 v3, v50;
	v1 =	vadd.f32 v1, v2  }
0x175: {  	v60 =	vld [tilespmem:s20+$0xA700]  }
0x176: {  	v4 =	vmul.f32 v59, v55;
	v3 =	vadd.f32 $0.0e+00, v3;
	v0 =	vadd.f32 v1, v57;
	_ =	sdelay $0x1  }
0x177: {  	v61 =	vadd.f32 v4, v3;
	v0 =	vmul.f32 v0, v58;
	_ =	sdelay $0x1  }
0x178: {  	v62 =	vmul.f32 $1.000000000e+01, v60;
	v0 =	vadd.f32 v0, v61;
	_ =	sdelay $0x1  }
0x179: {  	v0 =	vmul.f32 v0, v62  }
0x17a: {  	v63 =	vpop (erf)  }
0x17b: {  	s15 =	sadd.s32 $0x1, s15;
	v0 =	vmul.f32 v0, v63  }
0x17c: {  	p1 =	sne.s32 s15, $0xA  }
.Ltmp5:
0x17d: {  	s25 =	sadd.s32 s7, s14;
	[tilespmem:s20+$0x19E00] =	vst v0;
	(pc) =	sbr.rel @p1 .LBB2_2-.Ltmp5, $4  }
0x17e: {  	[hbm4b:s25+s9] =	stream.linear.scatter [tilespmem:s6], [sflag:$0x3], $0x620, $0x38;
	[tilespmem:$0x1AB00] =	vst v63  }
0x17f: {  	_ =	swait.ge [sflag:s17], $0x620  }
0x180: {  	[sflag:s17] =	ssyncset.done $0x0  }
0x181: {  	[sflag:s17] =	ssyncadd.s32 $0xFFFFF9E0  }
0x182: {  	_ =	swait.ge [sflag:s5], $0x24C0  }
0x183: {  	[sflag:s5] =	ssyncset.done $0x0  }
0x184: {  	s13 =	simm.s32 $0x0;
	[sflag:s5] =	ssyncadd.s32 $0xFFFFDB40  }
0x185: {  	v0 =	vld [tilespmem:s13+$0x9380]  }
0x186: {  	v1 =	vld [tilespmem:s13+$0xA080]  }
0x187: {  	v2 =	vld [tilespmem:s13+$0x197A0]  }
0x188: {  	v4 =	vld [tilespmem:s13+$0x18B60]  }
0x189: {  	v5 =	vld [tilespmem:s13+$0x17F20]  }
0x18a: {  	v6 =	vld [tilespmem:s13+$0x18540]  }
0x18b: {  	v7 =	vld [tilespmem:s13+$0x11680]  }
0x18c: {  	v8 =	vld [tilespmem:s13+$0x17900]  }
0x18d: {  	v9 =	vld [tilespmem:s13+$0x11CA0]  }
0x18e: {  	s14 =	simm.s32 $0x0;
	v3 =	vld [tilespmem:s13+$0x128E0]  }
0x18f: {  	s15 =	sand.u32 $0x7F0, s14;
	v10 =	vld [tilespmem:s13+$0x122C0];
	v11 =	vand.u32 $0xFFFF0000, v4  }
0x190: {  	v14 =	vld [tilespmem:s15+$0x19180];
	v12 =	vand.u32 $0xFFFF0000, v2;
	v0 =	vmul.f32 v1, v0;
	v1 =	vand.u32 $0xFFFF0000, v5  }
0x191: {  	v13 =	vshll.u32 v6, $0x10;
	v15 =	vshll.u32 v8, $0x10;
	v8 =	vand.u32 $0xFFFF0000, v8  }
0x192: {  	v4 =	vshll.u32 v4, $0x10;
	v15 =	vmul.f32 v15, v7;
	v8 =	vmul.f32 v8, v9  }
0x193: {  	v6 =	vand.u32 $0xFFFF0000, v6;
	v5 =	vshll.u32 v5, $0x10;
	v13 =	vmul.f32 v13, v7  }
0x194: {  	v6 =	vmul.f32 v6, v9;
	v5 =	vmul.f32 v5, v10;
	v8 =	vadd.f32 v8, v15  }
0x195: {  	v62 =	vld [tilespmem:s13+$0x14180];
	v63 =	vshll.u32 v14, $0x10;
	v14 =	vand.u32 $0xFFFF0000, v14;
	v1 =	vmul.f32 v1, v3  }
0x196: {  	v4 =	vmul.f32 v4, v10;
	v6 =	vadd.f32 v6, v13;
	v5 =	vadd.f32 v5, v8  }
0x197: {  	v2 =	vshll.u32 v2, $0x10;
	v7 =	vmul.f32 v63, v7;
	v8 =	vmul.f32 v14, v9  }
0x198: {  	v4 =	vadd.f32 v4, v6;
	v6 =	vmul.f32 v11, v3;
	v9 =	vld [tilespmem:s13+$0x147A0];
	v1 =	vadd.f32 v5, v1  }
0x199: {  	v2 =	vmul.f32 v2, v10;
	v5 =	vadd.f32 v8, v7;
	v7 =	vld [tilespmem:s13+$0x14DC0]  }
0x19a: {  	(erf) = vrcp.f32 v0;
	v0 =	vmul.f32 v1, v62;
	v1 =	vadd.f32 v4, v6;
	v6 =	vld [tilespmem:s13+$0xAD80]  }
0x19b: {  	s15 =	simm.s32 $0x10;
	v3 =	vmul.f32 v12, v3;
	v2 =	vadd.f32 v2, v5  }
0x19c: {  	v4 =	vld [tilespmem:s15+$0x9380]  }
0x19d: {  	v5 =	vld [tilespmem:s15+$0xA080];
	v8 =	vadd.f32 $0.0e+00, v0;
	v9 =	vmul.f32 v1, v9;
	v2 =	vadd.f32 v2, v3  }
0x19e: {  	v1 =	vld [tilespmem:s15+$0x197A0]  }
0x19f: {  	v0 =	vld [tilespmem:s15+$0x128E0];
	v8 =	vadd.f32 v9, v8;
	v2 =	vmul.f32 v2, v7;
	v9 =	vmul.f32 $1.000000000e+01, v6  }
0x1a0: {  	v3 =	vld [tilespmem:s15+$0x17F20]  }
0x1a1: {  	v7 =	vld [tilespmem:s15+$0x18B60];
	v8 =	vadd.f32 v2, v8  }
0x1a2: {  	v6 =	vld [tilespmem:s15+$0x18540]  }
0x1a3: {  	s19 =	simm.s32 $0x80;
	v2 =	vld [tilespmem:s15+$0x11680];
	v8 =	vmul.f32 v8, v9;
	v9 =	vpop (erf)  }
.LBB2_14:
0x1a4: {  	p1 =	sne.s32 s19, $0x1840;
	v10 =	vld [tilespmem:s15+$0x17900]  }
0x1a5: {  	v11 =	vld [tilespmem:s15+$0x11CA0];
	v8 =	vmul.f32 v8, v9  }
0x1a6: {  	s14 =	sadd.s32 $0x10, s14  }
0x1a7: {  	v13 =	vand.u32 $0xFFFF0000, v1;
	v4 =	vmul.f32 v5, v4;
	v12 =	vand.u32 $0xFFFF0000, v7;
	s20 =	sand.u32 $0x7F0, s14;
	v9 =	vld [tilespmem:s15+$0x122C0];
	[tilespmem:s13+$0x1A480] =	vst v8;
	s13 =	smov.u32 s15  }
0x1a8: {  	v7 =	vshll.u32 v7, $0x10;
	v5 =	vand.u32 $0xFFFF0000, v3;
	v8 =	vshll.u32 v6, $0x10;
	v14 =	vld [tilespmem:s20+$0x19180]  }
0x1a9: {  	v5 =	vmul.f32 v5, v0;
	v15 =	vshll.u32 v10, $0x10;
	v10 =	vand.u32 $0xFFFF0000, v10  }
0x1aa: {  	v6 =	vand.u32 $0xFFFF0000, v6;
	v15 =	vmul.f32 v15, v2;
	v10 =	vmul.f32 v10, v11  }
0x1ab: {  	v3 =	vshll.u32 v3, $0x10;
	v8 =	vmul.f32 v8, v2;
	v6 =	vmul.f32 v6, v11  }
0x1ac: {  	v10 =	vadd.f32 v10, v15;
	v3 =	vmul.f32 v3, v9;
	v7 =	vmul.f32 v7, v9  }
0x1ad: {  	v6 =	vadd.f32 v6, v8;
	v15 =	vld [tilespmem:s13+$0x14180];
	v8 =	vshll.u32 v14, $0x10;
	v14 =	vand.u32 $0xFFFF0000, v14  }
0x1ae: {  	v3 =	vadd.f32 v3, v10;
	v2 =	vmul.f32 v8, v2;
	v8 =	vmul.f32 v14, v11  }
0x1af: {  	v1 =	vshll.u32 v1, $0x10;
	v6 =	vadd.f32 v7, v6;
	v7 =	vmul.f32 v12, v0;
	v10 =	vld [tilespmem:s13+$0x147A0]  }
0x1b0: {  	v1 =	vmul.f32 v1, v9;
	v3 =	vadd.f32 v3, v5;
	v2 =	vadd.f32 v8, v2  }
0x1b1: {  	v0 =	vmul.f32 v13, v0;
	v8 =	vld [tilespmem:s13+$0x14DC0];
	(erf) = vrcp.f32 v4  }
0x1b2: {  	s15 =	sshra.s32 s19, $0x2;
	v6 =	vadd.f32 v6, v7;
	v3 =	vmul.f32 v3, v15;
	v1 =	vadd.f32 v1, v2;
	v2 =	vld [tilespmem:s13+$0xAD80]  }
0x1b3: {  	v4 =	vld [tilespmem:s15+$0x9380]  }
0x1b4: {  	v5 =	vld [tilespmem:s15+$0xA080];
	v3 =	vadd.f32 $0.0e+00, v3;
	v6 =	vmul.f32 v6, v10;
	v7 =	vadd.f32 v1, v0  }
0x1b5: {  	v1 =	vld [tilespmem:s15+$0x197A0]  }
.Ltmp6:
0x1b6: {  	v0 =	vld [tilespmem:s15+$0x128E0];
	v6 =	vadd.f32 v6, v3;
	v8 =	vmul.f32 v7, v8;
	(pc) =	sbr.rel @p1 .LBB2_14-.Ltmp6, $4  }
0x1b7: {  	v7 =	vld [tilespmem:s15+$0x18B60]  }
0x1b8: {  	v10 =	vmul.f32 $1.000000000e+01, v2;
	v3 =	vld [tilespmem:s15+$0x17F20];
	v8 =	vadd.f32 v8, v6  }
0x1b9: {  	v6 =	vld [tilespmem:s15+$0x18540]  }
0x1ba: {  	s19 =	sadd.s32 $0x40, s19;
	v2 =	vld [tilespmem:s15+$0x11680];
	v8 =	vmul.f32 v8, v10;
	v9 =	vpop (erf)  }
0x1bb: {  	v10 =	vld [tilespmem:s15+$0x17900]  }
0x1bc: {  	v11 =	vld [tilespmem:s15+$0x11CA0];
	v8 =	vmul.f32 v8, v9  }
0x1bd: {  	s14 =	sadd.s32 $0x10, s14  }
0x1be: {  	v44 =	vld [tilespmem:s15+$0x122C0];
	v13 =	vand.u32 $0xFFFF0000, v1;
	v4 =	vmul.f32 v5, v4;
	v12 =	vand.u32 $0xFFFF0000, v7;
	s14 =	sand.u32 $0x7F0, s14;
	[tilespmem:s13+$0x1A480] =	vst v8  }
0x1bf: {  	v47 =	vshll.u32 v7, $0x10;
	v45 =	vand.u32 $0xFFFF0000, v3;
	v46 =	vshll.u32 v6, $0x10;
	v14 =	vld [tilespmem:s14+$0x19180]  }
0x1c0: {  	v5 =	vmul.f32 v45, v0;
	v15 =	vshll.u32 v10, $0x10;
	v10 =	vand.u32 $0xFFFF0000, v10  }
0x1c1: {  	v48 =	vand.u32 $0xFFFF0000, v6;
	v15 =	vmul.f32 v15, v2;
	v10 =	vmul.f32 v10, v11  }
0x1c2: {  	v49 =	vshll.u32 v3, $0x10;
	v8 =	vmul.f32 v46, v2;
	v6 =	vmul.f32 v48, v11  }
0x1c3: {  	v3 =	vmul.f32 v49, v44;
	v7 =	vmul.f32 v47, v44;
	v10 =	vadd.f32 v10, v15  }
0x1c4: {  	v50 =	vld [tilespmem:s15+$0x14180];
	v6 =	vadd.f32 v6, v8;
	v51 =	vshll.u32 v14, $0x10;
	v14 =	vand.u32 $0xFFFF0000, v14  }
0x1c5: {  	v3 =	vadd.f32 v3, v10;
	v52 =	vmul.f32 v51, v2;
	v53 =	vmul.f32 v14, v11  }
0x1c6: {  	v56 =	vshll.u32 v1, $0x10;
	v54 =	vmul.f32 v12, v0;
	v55 =	vld [tilespmem:s15+$0x147A0];
	v6 =	vadd.f32 v7, v6  }
0x1c7: {  	v1 =	vmul.f32 v56, v44;
	v3 =	vadd.f32 v3, v5;
	v2 =	vadd.f32 v53, v52  }
0x1c8: {  	v57 =	vmul.f32 v13, v0;
	(erf) = vrcp.f32 v4;
	v58 =	vld [tilespmem:s15+$0x14DC0]  }
0x1c9: {  	v59 =	vadd.f32 v6, v54;
	v3 =	vmul.f32 v3, v50;
	v1 =	vadd.f32 v1, v2  }
0x1ca: {  	v60 =	vld [tilespmem:s15+$0xAD80]  }
0x1cb: {  	v4 =	vmul.f32 v59, v55;
	v3 =	vadd.f32 $0.0e+00, v3;
	v0 =	vadd.f32 v1, v57;
	_ =	sdelay $0x1  }
0x1cc: {  	v61 =	vadd.f32 v4, v3;
	v0 =	vmul.f32 v0, v58;
	_ =	sdelay $0x1  }
0x1cd: {  	v62 =	vmul.f32 $1.000000000e+01, v60;
	v0 =	vadd.f32 v0, v61;
	_ =	sdelay $0x1  }
0x1ce: {  	v0 =	vmul.f32 v0, v62  }
0x1cf: {  	v63 =	vpop (erf)  }
0x1d0: {  	v0 =	vmul.f32 v0, v63;
	_ =	sdelay $0x1  }
0x1d1: {  	s21 =	rddreg [dreg:$0x9];
	s23 =	simm.s32 $0x1A480;
	[tilespmem:s15+$0x1A480] =	vst v0  }
0x1d2: {  	[hbm4b:s21+s9] =	stream.linear.scatter [tilespmem:s23], [sflag:$0x3], $0x620, $0x38;
	[tilespmem:$0x1AB00] =	vst v63  }
0x1d3: {  	_ =	swait.ge [sflag:s17], $0x620  }
0x1d4: {  	s24 =	rddreg [dreg:$0xc]  }
0x1d5: {  	s25 =	rddreg [dreg:$0xa];
	s14 =	sadd.s32 $0x1, s24  }
0x1d6: {  	p1 =	sne.s32 s14, s25  }
.Ltmp7:
0x1d7: {  	_ = 	snop;
	(pc) =	sbr.rel @p1 .LBB2_1-.Ltmp7, $3  }
0x1d8: {  	_ =	sdelay $0x1  }
0x1d9: {  	[sflag:s17] =	ssyncset.done $0x0  }
0x1da: {  	[sflag:s17] =	ssyncadd.s32 $0xFFFFF9E0  }
0x1db: {  	_ =	sfence.sel $0x180000  }
0x1dc: {  	[bflag:$0x0] =	sbarrier.arrive $0xFFFF  }
0x1dd: {  	_ =	strace $0x90000047  }
0x1de: {  	[bflag:$0x2] =	sbarrier.arrive $0xFFFF  }
0x1df: {  	s0 =	rddreg [dreg:$0x8]  }
0x1e0: {  	s0 =	sadd.s32 @!p0 $0x100000, s0  }
0x1e1: {  	[sflag:s0] =	ssyncadd.tile.s32 @!p0 $0x1;
	_ =	shalt  }
.Lfunc_end2:
_tile_overlayer_lowered:
.L_overlay_start_2:
0x1e2: {  	(tag) =	ssettag $0x2  }
0x1e3: {  	s0 =	rddreg [dreg:$0x0];
	s2 =	stileid.u32  }
0x1e4: {  	s1 =	rddreg [dreg:$0x1];
	p0 =	sne.s32 s2, $0x0  }
0x1e5: {  	s3 =	rddreg [dreg:$0x2];
	[bflag:$0x3] =	sbarrier.arrive $0xFFFF;
	s2 =	simm.s32 @!p0 $0x1C03  }
0x1e6: {  	[timem:s3], [sflag:s2] =	dma.local @!p0 [hbm:s0], s1  }
0x1e7: {  	s0 =	simm.s32 @!p0 $0x3  }
0x1e8: {  	_ =	swait.ge @!p0 [sflag:s0], s1  }
0x1e9: {  	s1 =	ssub.s32 @!p0 $0x0, s1;
	[sflag:s0] =	ssyncset.done @!p0 $0x0  }
0x1ea: {  	[sflag:s0] =	ssyncadd.s32 @!p0 s1  }
0x1eb: {  	[bflag:$0x3] =	sbarrier.arrive $0xFFFF  }
0x1ec: {  	_ =	shalt  }

</sc_bundles>
